<compile_context>
chip_gen: v7x
topology: tpu7x:2x2x1
jax: 0.10.2.dev20260603
libtpu: 0.0.44.dev20260713+nightly
codegen_flags: <defaults>
</compile_context>

<pallas_src>
import functools

import jax
import jax.numpy as jnp
from jax import lax
from jax.experimental import pallas as pl
from jax.experimental.pallas import tpu as pltpu
from jax.experimental.pallas import tpu_sc as plsc

BATCH = 16384
D = 64
V = 1000001
PANEL = 16384
HALF = PANEL // 2
SH = PANEL.bit_length() - 1
NPANEL = (V + PANEL - 1) // PANEL
PAIR_ROWS = NPANEL * HALF

NC = 2
NS = 16
NW = NC * NS
B_PER_W = BATCH // NW
CHUNK = 128
NCHUNK = B_PER_W // CHUNK
L = 16


def _transpose_body(x_ref, o_ref):
  x = x_ref[...]
  eye = (lax.broadcasted_iota(jnp.int32, (D, D), 0)
         == lax.broadcasted_iota(jnp.int32, (D, D), 1)).astype(jnp.float32)
  y0 = lax.dot_general(x[:, :HALF], eye, (((0,), (0,)), ((), ())),
                       preferred_element_type=jnp.float32)
  y1 = lax.dot_general(x[:, HALF:], eye, (((0,), (0,)), ((), ())),
                       preferred_element_type=jnp.float32)
  o_ref[...] = jnp.concatenate([y0, y1], axis=1)


def _tc_transpose(qt):
  return pl.pallas_call(
      _transpose_body,
      grid=(NPANEL,),
      in_specs=[pl.BlockSpec((D, PANEL), lambda i: (0, i))],
      out_specs=pl.BlockSpec((HALF, 2 * D), lambda i: (i, 0)),
      out_shape=jax.ShapeDtypeStruct((PAIR_ROWS, 2 * D), jnp.float32),
  )(qt)


def _sc_gather(t, pairs):
  mesh = plsc.VectorSubcoreMesh(core_axis_name="c", subcore_axis_name="s")

  @functools.partial(
      pl.kernel,
      mesh=mesh,
      out_type=jax.ShapeDtypeStruct((BATCH, 2 * D), jnp.float32),
      compiler_params=pltpu.CompilerParams(use_tc_tiling_on_sc=False),
      scratch_types=[
          pltpu.VMEM((B_PER_W,), jnp.int32),
          pltpu.VMEM((B_PER_W, 2 * D), jnp.float32),
          pltpu.SemaphoreType.DMA,
      ],
  )
  def k(t_hbm, pairs_hbm, out_hbm, idx_v, rows_v, sem):
    wid = lax.axis_index("s") * NC + lax.axis_index("c")
    base = wid * B_PER_W
    pltpu.sync_copy(t_hbm.at[pl.ds(base, B_PER_W)], idx_v)
    for g in range(B_PER_W // L):
      tv = idx_v[pl.ds(g * L, L)]
      idx_v[pl.ds(g * L, L)] = ((tv >> SH) << (SH - 1)) + (tv & (HALF - 1))
    copies = []
    for j in range(NCHUNK):
      copies.append(
          pltpu.async_copy(
              pairs_hbm.at[idx_v.at[pl.ds(j * CHUNK, CHUNK)]],
              rows_v.at[pl.ds(j * CHUNK, CHUNK)],
              sem,
          ))
    for c in copies:
      c.wait()
    pltpu.sync_copy(rows_v, out_hbm.at[pl.ds(base, B_PER_W)])

  return k(t, pairs)


def _mlp_body(x_ref, t_ref, w1_ref, b1_ref, w2_ref, b2_ref, o_ref):
  x = x_ref[...]
  half = (t_ref[...] >> (SH - 1)) & 1
  emb = jnp.where(half == 1, x[:, D:], x[:, :D])
  h = jnp.dot(emb, w1_ref[...], preferred_element_type=jnp.float32) + b1_ref[...]
  h = h * jax.nn.sigmoid(h)
  o_ref[...] = (
      lax.dot_general(w2_ref[...], h, (((0,), (1,)), ((), ())),
                      preferred_element_type=jnp.float32)
      + b2_ref[...].reshape(D, 1)
  )


def _tc_mlp(x, t2d, W1, b1, W2, b2):
  blk = 2048
  grid = BATCH // blk
  outT = pl.pallas_call(
      _mlp_body,
      grid=(grid,),
      in_specs=[
          pl.BlockSpec((blk, 2 * D), lambda i: (i, 0)),
          pl.BlockSpec((blk, 1), lambda i: (i, 0)),
          pl.BlockSpec((D, D), lambda i: (0, 0)),
          pl.BlockSpec((1, D), lambda i: (0, 0)),
          pl.BlockSpec((D, D), lambda i: (0, 0)),
          pl.BlockSpec((1, D), lambda i: (0, 0)),
      ],
      out_specs=pl.BlockSpec((D, blk), lambda i: (0, i)),
      out_shape=jax.ShapeDtypeStruct((D, BATCH), jnp.float32),
  )(x, t2d, W1, b1.reshape(1, D), W2, b2.reshape(1, D))
  return outT.T


def kernel(t, table, W1, b1, W2, b2):
  pairs = _tc_transpose(table.T)
  rows = _sc_gather(t, pairs)
  return _tc_mlp(rows, t.reshape(BATCH, 1), W1, b1, W2, b2)

# --- scband reference (transcript-rebuilt; emitter-appended) ---
"""Pipeline reference for scband-context-embedding-87926570484150 (READ-ONLY COPY).

The authoritative reference and input builder live on the scoring server;
editing this copy changes nothing except your own understanding.
"""

import jax, jax.numpy as jnp
import numpy as np

NUM_LABELS = 1000000
D_MODEL = 64
DIM = 64
BATCH = 16384

def setup_inputs(seed: int = 0) -> dict:
    key = jax.random.key(seed)
    k1, k2, k3, k4, k5, k6 = jax.random.split(key, 6)
    t = jax.random.randint(k1, (BATCH,), 0, NUM_LABELS + 1, dtype=jnp.int64 if jax.config.jax_enable_x64 else jnp.int32).astype(jnp.int32)
    # embedding table (num_labels+1, d_model), row 0 is padding (zeros)
    table = jax.random.normal(k2, (NUM_LABELS + 1, D_MODEL), dtype=jnp.float32)
    table = table.at[0].set(0.0)
    # Linear(d_model, dim)
    lim1 = 1.0 / np.sqrt(D_MODEL)
    W1 = jax.random.uniform(k3, (D_MODEL, DIM), minval=-lim1, maxval=lim1, dtype=jnp.float32)
    b1 = jax.random.uniform(k4, (DIM,), minval=-lim1, maxval=lim1, dtype=jnp.float32)
    # Linear(dim, dim)
    lim2 = 1.0 / np.sqrt(DIM)
    W2 = jax.random.uniform(k5, (DIM, DIM), minval=-lim2, maxval=lim2, dtype=jnp.float32)
    b2 = jax.random.uniform(k6, (DIM,), minval=-lim2, maxval=lim2, dtype=jnp.float32)
    return {"t": t, "table": table, "W1": W1, "b1": b1, "W2": W2, "b2": b2}

def reference(t, table, W1, b1, W2, b2):
    # nn.Embedding with padding_idx=0: row 0 contributes zeros; mask to emulate
    emb = jnp.take(table, t, axis=0)
    mask = (t != 0).astype(emb.dtype)[:, None]
    emb = emb * mask
    h = emb @ W1 + b1
    h = h * jax.nn.sigmoid(h)  # SiLU
    out = h @ W2 + b2
    return out

if __name__ == "__main__":
    import jax
    _d = setup_inputs()
    print(jax.jit(kernel)(*tuple(_d.values())))

</pallas_src>

<mosaic_0001>
#map = affine_map<(d0, d1) -> (0)>
#map1 = affine_map<(d0, d1) -> (0, 0)>
module attributes {stable_mosaic.version = 14 : i64} {
  func.func @k(%arg0: i32, %arg1: i32, %arg2: memref<16384xi32, #tpu.memory_space<hbm>>, %arg3: memref<507904x128xf32, #tpu.memory_space<hbm>>, %arg4: memref<16384x128xf32, #tpu.memory_space<hbm>>, %arg5: memref<512xi32, #tpu.memory_space<vmem>>, %arg6: memref<512x128xf32, #tpu.memory_space<vmem>>, %arg7: memref<!tpu.dma_semaphore, #tpu.memory_space<semaphore_mem>>) attributes {dimension_semantics = [#tpu.dimension_semantics<core_parallel>, #tpu.dimension_semantics<subcore_parallel>], iteration_bounds = array<i64: 2, 16>, scalar_prefetch = 0 : i64, scratch_operands = 3 : i64, tpu.core_type = #tpu.core_type<sc_vector_subcore>, window_params = [{transform_indices = #map}, {transform_indices = #map1}, {transform_indices = #map1}]} {
    %mul3A = arith.constant 2 : i32
    %mul3A_0 = arith.muli %arg1, %mul3A : i32
    %add3A = arith.addi %mul3A_0, %arg0 : i32
    %mul3A_1 = arith.constant 512 : i32
    %mul3A_2 = arith.muli %add3A, %mul3A_1 : i32
    "tpu.region"() ({
      %run_scoped3A = tpu.sem_alloc : memref<!tpu.dma_semaphore, #tpu.memory_space<semaphore_mem>>
      %dma_start3A_604 = tpu.memref_slice %arg2[%mul3A_2] : memref<16384xi32, #tpu.memory_space<hbm>> -> memref<512xi32, #tpu.memory_space<hbm>>
      %dma_start3A_605 = tpu.memref_slice %arg2[%mul3A_2] : memref<16384xi32, #tpu.memory_space<hbm>> -> memref<512xi32, #tpu.memory_space<hbm>>
      tpu.enqueue_dma source(%dma_start3A_605 : memref<512xi32, #tpu.memory_space<hbm>>) target(%arg5 : memref<512xi32, #tpu.memory_space<vmem>>) target_semaphore(%run_scoped3A : memref<!tpu.dma_semaphore, #tpu.memory_space<semaphore_mem>>)
      %dma_wait3A_606 = tpu.memref_slice %arg2[%mul3A_2] : memref<16384xi32, #tpu.memory_space<hbm>> -> memref<512xi32, #tpu.memory_space<hbm>>
      %dma_wait3A_607 = tpu.memref_slice %arg2[%mul3A_2] : memref<16384xi32, #tpu.memory_space<hbm>> -> memref<512xi32, #tpu.memory_space<hbm>>
      tpu.wait_dma2 semaphore(%run_scoped3A : memref<!tpu.dma_semaphore, #tpu.memory_space<semaphore_mem>>) src(%dma_wait3A_607 : memref<512xi32, #tpu.memory_space<hbm>>) dst(%arg5 : memref<512xi32, #tpu.memory_space<vmem>>)
      tpu.yield
    }) : () -> ()
    %get3A = arith.constant 0 : index
    %get3A_3 = tpu.vector_load %arg5[%get3A] {strides = array<i32>} : memref<512xi32, #tpu.memory_space<vmem>>, vector<16xi32>,
    %get3A_4 = vector.shape_cast %get3A_3 : vector<16xi32> to vector<16xi32>
    %shift_right_arithmetic3A = arith.constant 14 : i32
    %shift_right_arithmetic3A_5 = vector.broadcast %shift_right_arithmetic3A : i32 to vector<16xi32>
    %shift_right_arithmetic3A_6 = arith.shrsi %get3A_4, %shift_right_arithmetic3A_5 : vector<16xi32>
    %shift_left3A = arith.constant 13 : i32
    %shift_left3A_7 = vector.broadcast %shift_left3A : i32 to vector<16xi32>
    %shift_left3A_8 = arith.shli %shift_right_arithmetic3A_6, %shift_left3A_7 : vector<16xi32>
    %and3A = arith.constant 8191 : i32
    %and3A_9 = vector.broadcast %and3A : i32 to vector<16xi32>
    %and3A_10 = arith.andi %get3A_4, %and3A_9 : vector<16xi32>
    %add3A_11 = arith.addi %shift_left3A_8, %and3A_10 : vector<16xi32>
    %swap3A = arith.constant 0 : index
    %swap3A_12 = tpu.vector_load %arg5[%swap3A] {strides = array<i32>} : memref<512xi32, #tpu.memory_space<vmem>>, vector<16xi32>,
    %swap3A_13 = vector.shape_cast %swap3A_12 : vector<16xi32> to vector<16xi32>
    %swap3A_14 = vector.shape_cast %add3A_11 : vector<16xi32> to vector<16xi32>
    tpu.vector_store %arg5[%swap3A], %swap3A_14 {strides = array<i32>} : memref<512xi32, #tpu.memory_space<vmem>>, vector<16xi32>,
    %get3A_15 = arith.constant 16 : index
    %get3A_16 = tpu.vector_load %arg5[%get3A_15] {strides = array<i32>} : memref<512xi32, #tpu.memory_space<vmem>>, vector<16xi32>,
    %get3A_17 = vector.shape_cast %get3A_16 : vector<16xi32> to vector<16xi32>
    %shift_right_arithmetic3A_18 = arith.constant 14 : i32
    %shift_right_arithmetic3A_19 = vector.broadcast %shift_right_arithmetic3A_18 : i32 to vector<16xi32>
    %shift_right_arithmetic3A_20 = arith.shrsi %get3A_17, %shift_right_arithmetic3A_19 : vector<16xi32>
    %shift_left3A_21 = arith.constant 13 : i32
    %shift_left3A_22 = vector.broadcast %shift_left3A_21 : i32 to vector<16xi32>
    %shift_left3A_23 = arith.shli %shift_right_arithmetic3A_20, %shift_left3A_22 : vector<16xi32>
    %and3A_24 = arith.constant 8191 : i32
    %and3A_25 = vector.broadcast %and3A_24 : i32 to vector<16xi32>
    %and3A_26 = arith.andi %get3A_17, %and3A_25 : vector<16xi32>
    %add3A_27 = arith.addi %shift_left3A_23, %and3A_26 : vector<16xi32>
    %swap3A_28 = arith.constant 16 : index
    %swap3A_29 = tpu.vector_load %arg5[%swap3A_28] {strides = array<i32>} : memref<512xi32, #tpu.memory_space<vmem>>, vector<16xi32>,
    %swap3A_30 = vector.shape_cast %swap3A_29 : vector<16xi32> to vector<16xi32>
    %swap3A_31 = vector.shape_cast %add3A_27 : vector<16xi32> to vector<16xi32>
    tpu.vector_store %arg5[%swap3A_28], %swap3A_31 {strides = array<i32>} : memref<512xi32, #tpu.memory_space<vmem>>, vector<16xi32>,
    %get3A_32 = arith.constant 32 : index
    %get3A_33 = tpu.vector_load %arg5[%get3A_32] {strides = array<i32>} : memref<512xi32, #tpu.memory_space<vmem>>, vector<16xi32>,
    %get3A_34 = vector.shape_cast %get3A_33 : vector<16xi32> to vector<16xi32>
    %shift_right_arithmetic3A_35 = arith.constant 14 : i32
    %shift_right_arithmetic3A_36 = vector.broadcast %shift_right_arithmetic3A_35 : i32 to vector<16xi32>
    %shift_right_arithmetic3A_37 = arith.shrsi %get3A_34, %shift_right_arithmetic3A_36 : vector<16xi32>
    %shift_left3A_38 = arith.constant 13 : i32
    %shift_left3A_39 = vector.broadcast %shift_left3A_38 : i32 to vector<16xi32>
    %shift_left3A_40 = arith.shli %shift_right_arithmetic3A_37, %shift_left3A_39 : vector<16xi32>
    %and3A_41 = arith.constant 8191 : i32
    %and3A_42 = vector.broadcast %and3A_41 : i32 to vector<16xi32>
    %and3A_43 = arith.andi %get3A_34, %and3A_42 : vector<16xi32>
    %add3A_44 = arith.addi %shift_left3A_40, %and3A_43 : vector<16xi32>
    %swap3A_45 = arith.constant 32 : index
    %swap3A_46 = tpu.vector_load %arg5[%swap3A_45] {strides = array<i32>} : memref<512xi32, #tpu.memory_space<vmem>>, vector<16xi32>,
    %swap3A_47 = vector.shape_cast %swap3A_46 : vector<16xi32> to vector<16xi32>
    %swap3A_48 = vector.shape_cast %add3A_44 : vector<16xi32> to vector<16xi32>
    tpu.vector_store %arg5[%swap3A_45], %swap3A_48 {strides = array<i32>} : memref<512xi32, #tpu.memory_space<vmem>>, vector<16xi32>,
    %get3A_49 = arith.constant 48 : index
    %get3A_50 = tpu.vector_load %arg5[%get3A_49] {strides = array<i32>} : memref<512xi32, #tpu.memory_space<vmem>>, vector<16xi32>,
    %get3A_51 = vector.shape_cast %get3A_50 : vector<16xi32> to vector<16xi32>
    %shift_right_arithmetic3A_52 = arith.constant 14 : i32
    %shift_right_arithmetic3A_53 = vector.broadcast %shift_right_arithmetic3A_52 : i32 to vector<16xi32>
    %shift_right_arithmetic3A_54 = arith.shrsi %get3A_51, %shift_right_arithmetic3A_53 : vector<16xi32>
    %shift_left3A_55 = arith.constant 13 : i32
    %shift_left3A_56 = vector.broadcast %shift_left3A_55 : i32 to vector<16xi32>
    %shift_left3A_57 = arith.shli %shift_right_arithmetic3A_54, %shift_left3A_56 : vector<16xi32>
    %and3A_58 = arith.constant 8191 : i32
    %and3A_59 = vector.broadcast %and3A_58 : i32 to vector<16xi32>
    %and3A_60 = arith.andi %get3A_51, %and3A_59 : vector<16xi32>
    %add3A_61 = arith.addi %shift_left3A_57, %and3A_60 : vector<16xi32>
    %swap3A_62 = arith.constant 48 : index
    %swap3A_63 = tpu.vector_load %arg5[%swap3A_62] {strides = array<i32>} : memref<512xi32, #tpu.memory_space<vmem>>, vector<16xi32>,
    %swap3A_64 = vector.shape_cast %swap3A_63 : vector<16xi32> to vector<16xi32>
    %swap3A_65 = vector.shape_cast %add3A_61 : vector<16xi32> to vector<16xi32>
    tpu.vector_store %arg5[%swap3A_62], %swap3A_65 {strides = array<i32>} : memref<512xi32, #tpu.memory_space<vmem>>, vector<16xi32>,
    %get3A_66 = arith.constant 64 : index
    %get3A_67 = tpu.vector_load %arg5[%get3A_66] {strides = array<i32>} : memref<512xi32, #tpu.memory_space<vmem>>, vector<16xi32>,
    %get3A_68 = vector.shape_cast %get3A_67 : vector<16xi32> to vector<16xi32>
    %shift_right_arithmetic3A_69 = arith.constant 14 : i32
    %shift_right_arithmetic3A_70 = vector.broadcast %shift_right_arithmetic3A_69 : i32 to vector<16xi32>
    %shift_right_arithmetic3A_71 = arith.shrsi %get3A_68, %shift_right_arithmetic3A_70 : vector<16xi32>
    %shift_left3A_72 = arith.constant 13 : i32
    %shift_left3A_73 = vector.broadcast %shift_left3A_72 : i32 to vector<16xi32>
    %shift_left3A_74 = arith.shli %shift_right_arithmetic3A_71, %shift_left3A_73 : vector<16xi32>
    %and3A_75 = arith.constant 8191 : i32
    %and3A_76 = vector.broadcast %and3A_75 : i32 to vector<16xi32>
    %and3A_77 = arith.andi %get3A_68, %and3A_76 : vector<16xi32>
    %add3A_78 = arith.addi %shift_left3A_74, %and3A_77 : vector<16xi32>
    %swap3A_79 = arith.constant 64 : index
    %swap3A_80 = tpu.vector_load %arg5[%swap3A_79] {strides = array<i32>} : memref<512xi32, #tpu.memory_space<vmem>>, vector<16xi32>,
    %swap3A_81 = vector.shape_cast %swap3A_80 : vector<16xi32> to vector<16xi32>
    %swap3A_82 = vector.shape_cast %add3A_78 : vector<16xi32> to vector<16xi32>
    tpu.vector_store %arg5[%swap3A_79], %swap3A_82 {strides = array<i32>} : memref<512xi32, #tpu.memory_space<vmem>>, vector<16xi32>,
    %get3A_83 = arith.constant 80 : index
    %get3A_84 = tpu.vector_load %arg5[%get3A_83] {strides = array<i32>} : memref<512xi32, #tpu.memory_space<vmem>>, vector<16xi32>,
    %get3A_85 = vector.shape_cast %get3A_84 : vector<16xi32> to vector<16xi32>
    %shift_right_arithmetic3A_86 = arith.constant 14 : i32
    %shift_right_arithmetic3A_87 = vector.broadcast %shift_right_arithmetic3A_86 : i32 to vector<16xi32>
    %shift_right_arithmetic3A_88 = arith.shrsi %get3A_85, %shift_right_arithmetic3A_87 : vector<16xi32>
    %shift_left3A_89 = arith.constant 13 : i32
    %shift_left3A_90 = vector.broadcast %shift_left3A_89 : i32 to vector<16xi32>
    %shift_left3A_91 = arith.shli %shift_right_arithmetic3A_88, %shift_left3A_90 : vector<16xi32>
    %and3A_92 = arith.constant 8191 : i32
    %and3A_93 = vector.broadcast %and3A_92 : i32 to vector<16xi32>
    %and3A_94 = arith.andi %get3A_85, %and3A_93 : vector<16xi32>
    %add3A_95 = arith.addi %shift_left3A_91, %and3A_94 : vector<16xi32>
    %swap3A_96 = arith.constant 80 : index
    %swap3A_97 = tpu.vector_load %arg5[%swap3A_96] {strides = array<i32>} : memref<512xi32, #tpu.memory_space<vmem>>, vector<16xi32>,
    %swap3A_98 = vector.shape_cast %swap3A_97 : vector<16xi32> to vector<16xi32>
    %swap3A_99 = vector.shape_cast %add3A_95 : vector<16xi32> to vector<16xi32>
    tpu.vector_store %arg5[%swap3A_96], %swap3A_99 {strides = array<i32>} : memref<512xi32, #tpu.memory_space<vmem>>, vector<16xi32>,
    %get3A_100 = arith.constant 96 : index
    %get3A_101 = tpu.vector_load %arg5[%get3A_100] {strides = array<i32>} : memref<512xi32, #tpu.memory_space<vmem>>, vector<16xi32>,
    %get3A_102 = vector.shape_cast %get3A_101 : vector<16xi32> to vector<16xi32>
    %shift_right_arithmetic3A_103 = arith.constant 14 : i32
    %shift_right_arithmetic3A_104 = vector.broadcast %shift_right_arithmetic3A_103 : i32 to vector<16xi32>
    %shift_right_arithmetic3A_105 = arith.shrsi %get3A_102, %shift_right_arithmetic3A_104 : vector<16xi32>
    %shift_left3A_106 = arith.constant 13 : i32
    %shift_left3A_107 = vector.broadcast %shift_left3A_106 : i32 to vector<16xi32>
    %shift_left3A_108 = arith.shli %shift_right_arithmetic3A_105, %shift_left3A_107 : vector<16xi32>
    %and3A_109 = arith.constant 8191 : i32
    %and3A_110 = vector.broadcast %and3A_109 : i32 to vector<16xi32>
    %and3A_111 = arith.andi %get3A_102, %and3A_110 : vector<16xi32>
    %add3A_112 = arith.addi %shift_left3A_108, %and3A_111 : vector<16xi32>
    %swap3A_113 = arith.constant 96 : index
    %swap3A_114 = tpu.vector_load %arg5[%swap3A_113] {strides = array<i32>} : memref<512xi32, #tpu.memory_space<vmem>>, vector<16xi32>,
    %swap3A_115 = vector.shape_cast %swap3A_114 : vector<16xi32> to vector<16xi32>
    %swap3A_116 = vector.shape_cast %add3A_112 : vector<16xi32> to vector<16xi32>
    tpu.vector_store %arg5[%swap3A_113], %swap3A_116 {strides = array<i32>} : memref<512xi32, #tpu.memory_space<vmem>>, vector<16xi32>,
    %get3A_117 = arith.constant 112 : index
    %get3A_118 = tpu.vector_load %arg5[%get3A_117] {strides = array<i32>} : memref<512xi32, #tpu.memory_space<vmem>>, vector<16xi32>,
    %get3A_119 = vector.shape_cast %get3A_118 : vector<16xi32> to vector<16xi32>
    %shift_right_arithmetic3A_120 = arith.constant 14 : i32
    %shift_right_arithmetic3A_121 = vector.broadcast %shift_right_arithmetic3A_120 : i32 to vector<16xi32>
    %shift_right_arithmetic3A_122 = arith.shrsi %get3A_119, %shift_right_arithmetic3A_121 : vector<16xi32>
    %shift_left3A_123 = arith.constant 13 : i32
    %shift_left3A_124 = vector.broadcast %shift_left3A_123 : i32 to vector<16xi32>
    %shift_left3A_125 = arith.shli %shift_right_arithmetic3A_122, %shift_left3A_124 : vector<16xi32>
    %and3A_126 = arith.constant 8191 : i32
    %and3A_127 = vector.broadcast %and3A_126 : i32 to vector<16xi32>
    %and3A_128 = arith.andi %get3A_119, %and3A_127 : vector<16xi32>
    %add3A_129 = arith.addi %shift_left3A_125, %and3A_128 : vector<16xi32>
    %swap3A_130 = arith.constant 112 : index
    %swap3A_131 = tpu.vector_load %arg5[%swap3A_130] {strides = array<i32>} : memref<512xi32, #tpu.memory_space<vmem>>, vector<16xi32>,
    %swap3A_132 = vector.shape_cast %swap3A_131 : vector<16xi32> to vector<16xi32>
    %swap3A_133 = vector.shape_cast %add3A_129 : vector<16xi32> to vector<16xi32>
    tpu.vector_store %arg5[%swap3A_130], %swap3A_133 {strides = array<i32>} : memref<512xi32, #tpu.memory_space<vmem>>, vector<16xi32>,
    %get3A_134 = arith.constant 128 : index
    %get3A_135 = tpu.vector_load %arg5[%get3A_134] {strides = array<i32>} : memref<512xi32, #tpu.memory_space<vmem>>, vector<16xi32>,
    %get3A_136 = vector.shape_cast %get3A_135 : vector<16xi32> to vector<16xi32>
    %shift_right_arithmetic3A_137 = arith.constant 14 : i32
    %shift_right_arithmetic3A_138 = vector.broadcast %shift_right_arithmetic3A_137 : i32 to vector<16xi32>
    %shift_right_arithmetic3A_139 = arith.shrsi %get3A_136, %shift_right_arithmetic3A_138 : vector<16xi32>
    %shift_left3A_140 = arith.constant 13 : i32
    %shift_left3A_141 = vector.broadcast %shift_left3A_140 : i32 to vector<16xi32>
    %shift_left3A_142 = arith.shli %shift_right_arithmetic3A_139, %shift_left3A_141 : vector<16xi32>
    %and3A_143 = arith.constant 8191 : i32
    %and3A_144 = vector.broadcast %and3A_143 : i32 to vector<16xi32>
    %and3A_145 = arith.andi %get3A_136, %and3A_144 : vector<16xi32>
    %add3A_146 = arith.addi %shift_left3A_142, %and3A_145 : vector<16xi32>
    %swap3A_147 = arith.constant 128 : index
    %swap3A_148 = tpu.vector_load %arg5[%swap3A_147] {strides = array<i32>} : memref<512xi32, #tpu.memory_space<vmem>>, vector<16xi32>,
    %swap3A_149 = vector.shape_cast %swap3A_148 : vector<16xi32> to vector<16xi32>
    %swap3A_150 = vector.shape_cast %add3A_146 : vector<16xi32> to vector<16xi32>
    tpu.vector_store %arg5[%swap3A_147], %swap3A_150 {strides = array<i32>} : memref<512xi32, #tpu.memory_space<vmem>>, vector<16xi32>,
    %get3A_151 = arith.constant 144 : index
    %get3A_152 = tpu.vector_load %arg5[%get3A_151] {strides = array<i32>} : memref<512xi32, #tpu.memory_space<vmem>>, vector<16xi32>,
    %get3A_153 = vector.shape_cast %get3A_152 : vector<16xi32> to vector<16xi32>
    %shift_right_arithmetic3A_154 = arith.constant 14 : i32
    %shift_right_arithmetic3A_155 = vector.broadcast %shift_right_arithmetic3A_154 : i32 to vector<16xi32>
    %shift_right_arithmetic3A_156 = arith.shrsi %get3A_153, %shift_right_arithmetic3A_155 : vector<16xi32>
    %shift_left3A_157 = arith.constant 13 : i32
    %shift_left3A_158 = vector.broadcast %shift_left3A_157 : i32 to vector<16xi32>
    %shift_left3A_159 = arith.shli %shift_right_arithmetic3A_156, %shift_left3A_158 : vector<16xi32>
    %and3A_160 = arith.constant 8191 : i32
    %and3A_161 = vector.broadcast %and3A_160 : i32 to vector<16xi32>
    %and3A_162 = arith.andi %get3A_153, %and3A_161 : vector<16xi32>
    %add3A_163 = arith.addi %shift_left3A_159, %and3A_162 : vector<16xi32>
    %swap3A_164 = arith.constant 144 : index
    %swap3A_165 = tpu.vector_load %arg5[%swap3A_164] {strides = array<i32>} : memref<512xi32, #tpu.memory_space<vmem>>, vector<16xi32>,
    %swap3A_166 = vector.shape_cast %swap3A_165 : vector<16xi32> to vector<16xi32>
    %swap3A_167 = vector.shape_cast %add3A_163 : vector<16xi32> to vector<16xi32>
    tpu.vector_store %arg5[%swap3A_164], %swap3A_167 {strides = array<i32>} : memref<512xi32, #tpu.memory_space<vmem>>, vector<16xi32>,
    %get3A_168 = arith.constant 160 : index
    %get3A_169 = tpu.vector_load %arg5[%get3A_168] {strides = array<i32>} : memref<512xi32, #tpu.memory_space<vmem>>, vector<16xi32>,
    %get3A_170 = vector.shape_cast %get3A_169 : vector<16xi32> to vector<16xi32>
    %shift_right_arithmetic3A_171 = arith.constant 14 : i32
    %shift_right_arithmetic3A_172 = vector.broadcast %shift_right_arithmetic3A_171 : i32 to vector<16xi32>
    %shift_right_arithmetic3A_173 = arith.shrsi %get3A_170, %shift_right_arithmetic3A_172 : vector<16xi32>
    %shift_left3A_174 = arith.constant 13 : i32
    %shift_left3A_175 = vector.broadcast %shift_left3A_174 : i32 to vector<16xi32>
    %shift_left3A_176 = arith.shli %shift_right_arithmetic3A_173, %shift_left3A_175 : vector<16xi32>
    %and3A_177 = arith.constant 8191 : i32
    %and3A_178 = vector.broadcast %and3A_177 : i32 to vector<16xi32>
    %and3A_179 = arith.andi %get3A_170, %and3A_178 : vector<16xi32>
    %add3A_180 = arith.addi %shift_left3A_176, %and3A_179 : vector<16xi32>
    %swap3A_181 = arith.constant 160 : index
    %swap3A_182 = tpu.vector_load %arg5[%swap3A_181] {strides = array<i32>} : memref<512xi32, #tpu.memory_space<vmem>>, vector<16xi32>,
    %swap3A_183 = vector.shape_cast %swap3A_182 : vector<16xi32> to vector<16xi32>
    %swap3A_184 = vector.shape_cast %add3A_180 : vector<16xi32> to vector<16xi32>
    tpu.vector_store %arg5[%swap3A_181], %swap3A_184 {strides = array<i32>} : memref<512xi32, #tpu.memory_space<vmem>>, vector<16xi32>,
    %get3A_185 = arith.constant 176 : index
    %get3A_186 = tpu.vector_load %arg5[%get3A_185] {strides = array<i32>} : memref<512xi32, #tpu.memory_space<vmem>>, vector<16xi32>,
    %get3A_187 = vector.shape_cast %get3A_186 : vector<16xi32> to vector<16xi32>
    %shift_right_arithmetic3A_188 = arith.constant 14 : i32
    %shift_right_arithmetic3A_189 = vector.broadcast %shift_right_arithmetic3A_188 : i32 to vector<16xi32>
    %shift_right_arithmetic3A_190 = arith.shrsi %get3A_187, %shift_right_arithmetic3A_189 : vector<16xi32>
    %shift_left3A_191 = arith.constant 13 : i32
    %shift_left3A_192 = vector.broadcast %shift_left3A_191 : i32 to vector<16xi32>
    %shift_left3A_193 = arith.shli %shift_right_arithmetic3A_190, %shift_left3A_192 : vector<16xi32>
    %and3A_194 = arith.constant 8191 : i32
    %and3A_195 = vector.broadcast %and3A_194 : i32 to vector<16xi32>
    %and3A_196 = arith.andi %get3A_187, %and3A_195 : vector<16xi32>
    %add3A_197 = arith.addi %shift_left3A_193, %and3A_196 : vector<16xi32>
    %swap3A_198 = arith.constant 176 : index
    %swap3A_199 = tpu.vector_load %arg5[%swap3A_198] {strides = array<i32>} : memref<512xi32, #tpu.memory_space<vmem>>, vector<16xi32>,
    %swap3A_200 = vector.shape_cast %swap3A_199 : vector<16xi32> to vector<16xi32>
    %swap3A_201 = vector.shape_cast %add3A_197 : vector<16xi32> to vector<16xi32>
    tpu.vector_store %arg5[%swap3A_198], %swap3A_201 {strides = array<i32>} : memref<512xi32, #tpu.memory_space<vmem>>, vector<16xi32>,
    %get3A_202 = arith.constant 192 : index
    %get3A_203 = tpu.vector_load %arg5[%get3A_202] {strides = array<i32>} : memref<512xi32, #tpu.memory_space<vmem>>, vector<16xi32>,
    %get3A_204 = vector.shape_cast %get3A_203 : vector<16xi32> to vector<16xi32>
    %shift_right_arithmetic3A_205 = arith.constant 14 : i32
    %shift_right_arithmetic3A_206 = vector.broadcast %shift_right_arithmetic3A_205 : i32 to vector<16xi32>
    %shift_right_arithmetic3A_207 = arith.shrsi %get3A_204, %shift_right_arithmetic3A_206 : vector<16xi32>
    %shift_left3A_208 = arith.constant 13 : i32
    %shift_left3A_209 = vector.broadcast %shift_left3A_208 : i32 to vector<16xi32>
    %shift_left3A_210 = arith.shli %shift_right_arithmetic3A_207, %shift_left3A_209 : vector<16xi32>
    %and3A_211 = arith.constant 8191 : i32
    %and3A_212 = vector.broadcast %and3A_211 : i32 to vector<16xi32>
    %and3A_213 = arith.andi %get3A_204, %and3A_212 : vector<16xi32>
    %add3A_214 = arith.addi %shift_left3A_210, %and3A_213 : vector<16xi32>
    %swap3A_215 = arith.constant 192 : index
    %swap3A_216 = tpu.vector_load %arg5[%swap3A_215] {strides = array<i32>} : memref<512xi32, #tpu.memory_space<vmem>>, vector<16xi32>,
    %swap3A_217 = vector.shape_cast %swap3A_216 : vector<16xi32> to vector<16xi32>
    %swap3A_218 = vector.shape_cast %add3A_214 : vector<16xi32> to vector<16xi32>
    tpu.vector_store %arg5[%swap3A_215], %swap3A_218 {strides = array<i32>} : memref<512xi32, #tpu.memory_space<vmem>>, vector<16xi32>,
    %get3A_219 = arith.constant 208 : index
    %get3A_220 = tpu.vector_load %arg5[%get3A_219] {strides = array<i32>} : memref<512xi32, #tpu.memory_space<vmem>>, vector<16xi32>,
    %get3A_221 = vector.shape_cast %get3A_220 : vector<16xi32> to vector<16xi32>
    %shift_right_arithmetic3A_222 = arith.constant 14 : i32
    %shift_right_arithmetic3A_223 = vector.broadcast %shift_right_arithmetic3A_222 : i32 to vector<16xi32>
    %shift_right_arithmetic3A_224 = arith.shrsi %get3A_221, %shift_right_arithmetic3A_223 : vector<16xi32>
    %shift_left3A_225 = arith.constant 13 : i32
    %shift_left3A_226 = vector.broadcast %shift_left3A_225 : i32 to vector<16xi32>
    %shift_left3A_227 = arith.shli %shift_right_arithmetic3A_224, %shift_left3A_226 : vector<16xi32>
    %and3A_228 = arith.constant 8191 : i32
    %and3A_229 = vector.broadcast %and3A_228 : i32 to vector<16xi32>
    %and3A_230 = arith.andi %get3A_221, %and3A_229 : vector<16xi32>
    %add3A_231 = arith.addi %shift_left3A_227, %and3A_230 : vector<16xi32>
    %swap3A_232 = arith.constant 208 : index
    %swap3A_233 = tpu.vector_load %arg5[%swap3A_232] {strides = array<i32>} : memref<512xi32, #tpu.memory_space<vmem>>, vector<16xi32>,
    %swap3A_234 = vector.shape_cast %swap3A_233 : vector<16xi32> to vector<16xi32>
    %swap3A_235 = vector.shape_cast %add3A_231 : vector<16xi32> to vector<16xi32>
    tpu.vector_store %arg5[%swap3A_232], %swap3A_235 {strides = array<i32>} : memref<512xi32, #tpu.memory_space<vmem>>, vector<16xi32>,
    %get3A_236 = arith.constant 224 : index
    %get3A_237 = tpu.vector_load %arg5[%get3A_236] {strides = array<i32>} : memref<512xi32, #tpu.memory_space<vmem>>, vector<16xi32>,
    %get3A_238 = vector.shape_cast %get3A_237 : vector<16xi32> to vector<16xi32>
    %shift_right_arithmetic3A_239 = arith.constant 14 : i32
    %shift_right_arithmetic3A_240 = vector.broadcast %shift_right_arithmetic3A_239 : i32 to vector<16xi32>
    %shift_right_arithmetic3A_241 = arith.shrsi %get3A_238, %shift_right_arithmetic3A_240 : vector<16xi32>
    %shift_left3A_242 = arith.constant 13 : i32
    %shift_left3A_243 = vector.broadcast %shift_left3A_242 : i32 to vector<16xi32>
    %shift_left3A_244 = arith.shli %shift_right_arithmetic3A_241, %shift_left3A_243 : vector<16xi32>
    %and3A_245 = arith.constant 8191 : i32
    %and3A_246 = vector.broadcast %and3A_245 : i32 to vector<16xi32>
    %and3A_247 = arith.andi %get3A_238, %and3A_246 : vector<16xi32>
    %add3A_248 = arith.addi %shift_left3A_244, %and3A_247 : vector<16xi32>
    %swap3A_249 = arith.constant 224 : index
    %swap3A_250 = tpu.vector_load %arg5[%swap3A_249] {strides = array<i32>} : memref<512xi32, #tpu.memory_space<vmem>>, vector<16xi32>,
    %swap3A_251 = vector.shape_cast %swap3A_250 : vector<16xi32> to vector<16xi32>
    %swap3A_252 = vector.shape_cast %add3A_248 : vector<16xi32> to vector<16xi32>
    tpu.vector_store %arg5[%swap3A_249], %swap3A_252 {strides = array<i32>} : memref<512xi32, #tpu.memory_space<vmem>>, vector<16xi32>,
    %get3A_253 = arith.constant 240 : index
    %get3A_254 = tpu.vector_load %arg5[%get3A_253] {strides = array<i32>} : memref<512xi32, #tpu.memory_space<vmem>>, vector<16xi32>,
    %get3A_255 = vector.shape_cast %get3A_254 : vector<16xi32> to vector<16xi32>
    %shift_right_arithmetic3A_256 = arith.constant 14 : i32
    %shift_right_arithmetic3A_257 = vector.broadcast %shift_right_arithmetic3A_256 : i32 to vector<16xi32>
    %shift_right_arithmetic3A_258 = arith.shrsi %get3A_255, %shift_right_arithmetic3A_257 : vector<16xi32>
    %shift_left3A_259 = arith.constant 13 : i32
    %shift_left3A_260 = vector.broadcast %shift_left3A_259 : i32 to vector<16xi32>
    %shift_left3A_261 = arith.shli %shift_right_arithmetic3A_258, %shift_left3A_260 : vector<16xi32>
    %and3A_262 = arith.constant 8191 : i32
    %and3A_263 = vector.broadcast %and3A_262 : i32 to vector<16xi32>
    %and3A_264 = arith.andi %get3A_255, %and3A_263 : vector<16xi32>
    %add3A_265 = arith.addi %shift_left3A_261, %and3A_264 : vector<16xi32>
    %swap3A_266 = arith.constant 240 : index
    %swap3A_267 = tpu.vector_load %arg5[%swap3A_266] {strides = array<i32>} : memref<512xi32, #tpu.memory_space<vmem>>, vector<16xi32>,
    %swap3A_268 = vector.shape_cast %swap3A_267 : vector<16xi32> to vector<16xi32>
    %swap3A_269 = vector.shape_cast %add3A_265 : vector<16xi32> to vector<16xi32>
    tpu.vector_store %arg5[%swap3A_266], %swap3A_269 {strides = array<i32>} : memref<512xi32, #tpu.memory_space<vmem>>, vector<16xi32>,
    %get3A_270 = arith.constant 256 : index
    %get3A_271 = tpu.vector_load %arg5[%get3A_270] {strides = array<i32>} : memref<512xi32, #tpu.memory_space<vmem>>, vector<16xi32>,
    %get3A_272 = vector.shape_cast %get3A_271 : vector<16xi32> to vector<16xi32>
    %shift_right_arithmetic3A_273 = arith.constant 14 : i32
    %shift_right_arithmetic3A_274 = vector.broadcast %shift_right_arithmetic3A_273 : i32 to vector<16xi32>
    %shift_right_arithmetic3A_275 = arith.shrsi %get3A_272, %shift_right_arithmetic3A_274 : vector<16xi32>
    %shift_left3A_276 = arith.constant 13 : i32
    %shift_left3A_277 = vector.broadcast %shift_left3A_276 : i32 to vector<16xi32>
    %shift_left3A_278 = arith.shli %shift_right_arithmetic3A_275, %shift_left3A_277 : vector<16xi32>
    %and3A_279 = arith.constant 8191 : i32
    %and3A_280 = vector.broadcast %and3A_279 : i32 to vector<16xi32>
    %and3A_281 = arith.andi %get3A_272, %and3A_280 : vector<16xi32>
    %add3A_282 = arith.addi %shift_left3A_278, %and3A_281 : vector<16xi32>
    %swap3A_283 = arith.constant 256 : index
    %swap3A_284 = tpu.vector_load %arg5[%swap3A_283] {strides = array<i32>} : memref<512xi32, #tpu.memory_space<vmem>>, vector<16xi32>,
    %swap3A_285 = vector.shape_cast %swap3A_284 : vector<16xi32> to vector<16xi32>
    %swap3A_286 = vector.shape_cast %add3A_282 : vector<16xi32> to vector<16xi32>
    tpu.vector_store %arg5[%swap3A_283], %swap3A_286 {strides = array<i32>} : memref<512xi32, #tpu.memory_space<vmem>>, vector<16xi32>,
    %get3A_287 = arith.constant 272 : index
    %get3A_288 = tpu.vector_load %arg5[%get3A_287] {strides = array<i32>} : memref<512xi32, #tpu.memory_space<vmem>>, vector<16xi32>,
    %get3A_289 = vector.shape_cast %get3A_288 : vector<16xi32> to vector<16xi32>
    %shift_right_arithmetic3A_290 = arith.constant 14 : i32
    %shift_right_arithmetic3A_291 = vector.broadcast %shift_right_arithmetic3A_290 : i32 to vector<16xi32>
    %shift_right_arithmetic3A_292 = arith.shrsi %get3A_289, %shift_right_arithmetic3A_291 : vector<16xi32>
    %shift_left3A_293 = arith.constant 13 : i32
    %shift_left3A_294 = vector.broadcast %shift_left3A_293 : i32 to vector<16xi32>
    %shift_left3A_295 = arith.shli %shift_right_arithmetic3A_292, %shift_left3A_294 : vector<16xi32>
    %and3A_296 = arith.constant 8191 : i32
    %and3A_297 = vector.broadcast %and3A_296 : i32 to vector<16xi32>
    %and3A_298 = arith.andi %get3A_289, %and3A_297 : vector<16xi32>
    %add3A_299 = arith.addi %shift_left3A_295, %and3A_298 : vector<16xi32>
    %swap3A_300 = arith.constant 272 : index
    %swap3A_301 = tpu.vector_load %arg5[%swap3A_300] {strides = array<i32>} : memref<512xi32, #tpu.memory_space<vmem>>, vector<16xi32>,
    %swap3A_302 = vector.shape_cast %swap3A_301 : vector<16xi32> to vector<16xi32>
    %swap3A_303 = vector.shape_cast %add3A_299 : vector<16xi32> to vector<16xi32>
    tpu.vector_store %arg5[%swap3A_300], %swap3A_303 {strides = array<i32>} : memref<512xi32, #tpu.memory_space<vmem>>, vector<16xi32>,
    %get3A_304 = arith.constant 288 : index
    %get3A_305 = tpu.vector_load %arg5[%get3A_304] {strides = array<i32>} : memref<512xi32, #tpu.memory_space<vmem>>, vector<16xi32>,
    %get3A_306 = vector.shape_cast %get3A_305 : vector<16xi32> to vector<16xi32>
    %shift_right_arithmetic3A_307 = arith.constant 14 : i32
    %shift_right_arithmetic3A_308 = vector.broadcast %shift_right_arithmetic3A_307 : i32 to vector<16xi32>
    %shift_right_arithmetic3A_309 = arith.shrsi %get3A_306, %shift_right_arithmetic3A_308 : vector<16xi32>
    %shift_left3A_310 = arith.constant 13 : i32
    %shift_left3A_311 = vector.broadcast %shift_left3A_310 : i32 to vector<16xi32>
    %shift_left3A_312 = arith.shli %shift_right_arithmetic3A_309, %shift_left3A_311 : vector<16xi32>
    %and3A_313 = arith.constant 8191 : i32
    %and3A_314 = vector.broadcast %and3A_313 : i32 to vector<16xi32>
    %and3A_315 = arith.andi %get3A_306, %and3A_314 : vector<16xi32>
    %add3A_316 = arith.addi %shift_left3A_312, %and3A_315 : vector<16xi32>
    %swap3A_317 = arith.constant 288 : index
    %swap3A_318 = tpu.vector_load %arg5[%swap3A_317] {strides = array<i32>} : memref<512xi32, #tpu.memory_space<vmem>>, vector<16xi32>,
    %swap3A_319 = vector.shape_cast %swap3A_318 : vector<16xi32> to vector<16xi32>
    %swap3A_320 = vector.shape_cast %add3A_316 : vector<16xi32> to vector<16xi32>
    tpu.vector_store %arg5[%swap3A_317], %swap3A_320 {strides = array<i32>} : memref<512xi32, #tpu.memory_space<vmem>>, vector<16xi32>,
    %get3A_321 = arith.constant 304 : index
    %get3A_322 = tpu.vector_load %arg5[%get3A_321] {strides = array<i32>} : memref<512xi32, #tpu.memory_space<vmem>>, vector<16xi32>,
    %get3A_323 = vector.shape_cast %get3A_322 : vector<16xi32> to vector<16xi32>
    %shift_right_arithmetic3A_324 = arith.constant 14 : i32
    %shift_right_arithmetic3A_325 = vector.broadcast %shift_right_arithmetic3A_324 : i32 to vector<16xi32>
    %shift_right_arithmetic3A_326 = arith.shrsi %get3A_323, %shift_right_arithmetic3A_325 : vector<16xi32>
    %shift_left3A_327 = arith.constant 13 : i32
    %shift_left3A_328 = vector.broadcast %shift_left3A_327 : i32 to vector<16xi32>
    %shift_left3A_329 = arith.shli %shift_right_arithmetic3A_326, %shift_left3A_328 : vector<16xi32>
    %and3A_330 = arith.constant 8191 : i32
    %and3A_331 = vector.broadcast %and3A_330 : i32 to vector<16xi32>
    %and3A_332 = arith.andi %get3A_323, %and3A_331 : vector<16xi32>
    %add3A_333 = arith.addi %shift_left3A_329, %and3A_332 : vector<16xi32>
    %swap3A_334 = arith.constant 304 : index
    %swap3A_335 = tpu.vector_load %arg5[%swap3A_334] {strides = array<i32>} : memref<512xi32, #tpu.memory_space<vmem>>, vector<16xi32>,
    %swap3A_336 = vector.shape_cast %swap3A_335 : vector<16xi32> to vector<16xi32>
    %swap3A_337 = vector.shape_cast %add3A_333 : vector<16xi32> to vector<16xi32>
    tpu.vector_store %arg5[%swap3A_334], %swap3A_337 {strides = array<i32>} : memref<512xi32, #tpu.memory_space<vmem>>, vector<16xi32>,
    %get3A_338 = arith.constant 320 : index
    %get3A_339 = tpu.vector_load %arg5[%get3A_338] {strides = array<i32>} : memref<512xi32, #tpu.memory_space<vmem>>, vector<16xi32>,
    %get3A_340 = vector.shape_cast %get3A_339 : vector<16xi32> to vector<16xi32>
    %shift_right_arithmetic3A_341 = arith.constant 14 : i32
    %shift_right_arithmetic3A_342 = vector.broadcast %shift_right_arithmetic3A_341 : i32 to vector<16xi32>
    %shift_right_arithmetic3A_343 = arith.shrsi %get3A_340, %shift_right_arithmetic3A_342 : vector<16xi32>
    %shift_left3A_344 = arith.constant 13 : i32
    %shift_left3A_345 = vector.broadcast %shift_left3A_344 : i32 to vector<16xi32>
    %shift_left3A_346 = arith.shli %shift_right_arithmetic3A_343, %shift_left3A_345 : vector<16xi32>
    %and3A_347 = arith.constant 8191 : i32
    %and3A_348 = vector.broadcast %and3A_347 : i32 to vector<16xi32>
    %and3A_349 = arith.andi %get3A_340, %and3A_348 : vector<16xi32>
    %add3A_350 = arith.addi %shift_left3A_346, %and3A_349 : vector<16xi32>
    %swap3A_351 = arith.constant 320 : index
    %swap3A_352 = tpu.vector_load %arg5[%swap3A_351] {strides = array<i32>} : memref<512xi32, #tpu.memory_space<vmem>>, vector<16xi32>,
    %swap3A_353 = vector.shape_cast %swap3A_352 : vector<16xi32> to vector<16xi32>
    %swap3A_354 = vector.shape_cast %add3A_350 : vector<16xi32> to vector<16xi32>
    tpu.vector_store %arg5[%swap3A_351], %swap3A_354 {strides = array<i32>} : memref<512xi32, #tpu.memory_space<vmem>>, vector<16xi32>,
    %get3A_355 = arith.constant 336 : index
    %get3A_356 = tpu.vector_load %arg5[%get3A_355] {strides = array<i32>} : memref<512xi32, #tpu.memory_space<vmem>>, vector<16xi32>,
    %get3A_357 = vector.shape_cast %get3A_356 : vector<16xi32> to vector<16xi32>
    %shift_right_arithmetic3A_358 = arith.constant 14 : i32
    %shift_right_arithmetic3A_359 = vector.broadcast %shift_right_arithmetic3A_358 : i32 to vector<16xi32>
    %shift_right_arithmetic3A_360 = arith.shrsi %get3A_357, %shift_right_arithmetic3A_359 : vector<16xi32>
    %shift_left3A_361 = arith.constant 13 : i32
    %shift_left3A_362 = vector.broadcast %shift_left3A_361 : i32 to vector<16xi32>
    %shift_left3A_363 = arith.shli %shift_right_arithmetic3A_360, %shift_left3A_362 : vector<16xi32>
    %and3A_364 = arith.constant 8191 : i32
    %and3A_365 = vector.broadcast %and3A_364 : i32 to vector<16xi32>
    %and3A_366 = arith.andi %get3A_357, %and3A_365 : vector<16xi32>
    %add3A_367 = arith.addi %shift_left3A_363, %and3A_366 : vector<16xi32>
    %swap3A_368 = arith.constant 336 : index
    %swap3A_369 = tpu.vector_load %arg5[%swap3A_368] {strides = array<i32>} : memref<512xi32, #tpu.memory_space<vmem>>, vector<16xi32>,
    %swap3A_370 = vector.shape_cast %swap3A_369 : vector<16xi32> to vector<16xi32>
    %swap3A_371 = vector.shape_cast %add3A_367 : vector<16xi32> to vector<16xi32>
    tpu.vector_store %arg5[%swap3A_368], %swap3A_371 {strides = array<i32>} : memref<512xi32, #tpu.memory_space<vmem>>, vector<16xi32>,
    %get3A_372 = arith.constant 352 : index
    %get3A_373 = tpu.vector_load %arg5[%get3A_372] {strides = array<i32>} : memref<512xi32, #tpu.memory_space<vmem>>, vector<16xi32>,
    %get3A_374 = vector.shape_cast %get3A_373 : vector<16xi32> to vector<16xi32>
    %shift_right_arithmetic3A_375 = arith.constant 14 : i32
    %shift_right_arithmetic3A_376 = vector.broadcast %shift_right_arithmetic3A_375 : i32 to vector<16xi32>
    %shift_right_arithmetic3A_377 = arith.shrsi %get3A_374, %shift_right_arithmetic3A_376 : vector<16xi32>
    %shift_left3A_378 = arith.constant 13 : i32
    %shift_left3A_379 = vector.broadcast %shift_left3A_378 : i32 to vector<16xi32>
    %shift_left3A_380 = arith.shli %shift_right_arithmetic3A_377, %shift_left3A_379 : vector<16xi32>
    %and3A_381 = arith.constant 8191 : i32
    %and3A_382 = vector.broadcast %and3A_381 : i32 to vector<16xi32>
    %and3A_383 = arith.andi %get3A_374, %and3A_382 : vector<16xi32>
    %add3A_384 = arith.addi %shift_left3A_380, %and3A_383 : vector<16xi32>
    %swap3A_385 = arith.constant 352 : index
    %swap3A_386 = tpu.vector_load %arg5[%swap3A_385] {strides = array<i32>} : memref<512xi32, #tpu.memory_space<vmem>>, vector<16xi32>,
    %swap3A_387 = vector.shape_cast %swap3A_386 : vector<16xi32> to vector<16xi32>
    %swap3A_388 = vector.shape_cast %add3A_384 : vector<16xi32> to vector<16xi32>
    tpu.vector_store %arg5[%swap3A_385], %swap3A_388 {strides = array<i32>} : memref<512xi32, #tpu.memory_space<vmem>>, vector<16xi32>,
    %get3A_389 = arith.constant 368 : index
    %get3A_390 = tpu.vector_load %arg5[%get3A_389] {strides = array<i32>} : memref<512xi32, #tpu.memory_space<vmem>>, vector<16xi32>,
    %get3A_391 = vector.shape_cast %get3A_390 : vector<16xi32> to vector<16xi32>
    %shift_right_arithmetic3A_392 = arith.constant 14 : i32
    %shift_right_arithmetic3A_393 = vector.broadcast %shift_right_arithmetic3A_392 : i32 to vector<16xi32>
    %shift_right_arithmetic3A_394 = arith.shrsi %get3A_391, %shift_right_arithmetic3A_393 : vector<16xi32>
    %shift_left3A_395 = arith.constant 13 : i32
    %shift_left3A_396 = vector.broadcast %shift_left3A_395 : i32 to vector<16xi32>
    %shift_left3A_397 = arith.shli %shift_right_arithmetic3A_394, %shift_left3A_396 : vector<16xi32>
    %and3A_398 = arith.constant 8191 : i32
    %and3A_399 = vector.broadcast %and3A_398 : i32 to vector<16xi32>
    %and3A_400 = arith.andi %get3A_391, %and3A_399 : vector<16xi32>
    %add3A_401 = arith.addi %shift_left3A_397, %and3A_400 : vector<16xi32>
    %swap3A_402 = arith.constant 368 : index
    %swap3A_403 = tpu.vector_load %arg5[%swap3A_402] {strides = array<i32>} : memref<512xi32, #tpu.memory_space<vmem>>, vector<16xi32>,
    %swap3A_404 = vector.shape_cast %swap3A_403 : vector<16xi32> to vector<16xi32>
    %swap3A_405 = vector.shape_cast %add3A_401 : vector<16xi32> to vector<16xi32>
    tpu.vector_store %arg5[%swap3A_402], %swap3A_405 {strides = array<i32>} : memref<512xi32, #tpu.memory_space<vmem>>, vector<16xi32>,
    %get3A_406 = arith.constant 384 : index
    %get3A_407 = tpu.vector_load %arg5[%get3A_406] {strides = array<i32>} : memref<512xi32, #tpu.memory_space<vmem>>, vector<16xi32>,
    %get3A_408 = vector.shape_cast %get3A_407 : vector<16xi32> to vector<16xi32>
    %shift_right_arithmetic3A_409 = arith.constant 14 : i32
    %shift_right_arithmetic3A_410 = vector.broadcast %shift_right_arithmetic3A_409 : i32 to vector<16xi32>
    %shift_right_arithmetic3A_411 = arith.shrsi %get3A_408, %shift_right_arithmetic3A_410 : vector<16xi32>
    %shift_left3A_412 = arith.constant 13 : i32
    %shift_left3A_413 = vector.broadcast %shift_left3A_412 : i32 to vector<16xi32>
    %shift_left3A_414 = arith.shli %shift_right_arithmetic3A_411, %shift_left3A_413 : vector<16xi32>
    %and3A_415 = arith.constant 8191 : i32
    %and3A_416 = vector.broadcast %and3A_415 : i32 to vector<16xi32>
    %and3A_417 = arith.andi %get3A_408, %and3A_416 : vector<16xi32>
    %add3A_418 = arith.addi %shift_left3A_414, %and3A_417 : vector<16xi32>
    %swap3A_419 = arith.constant 384 : index
    %swap3A_420 = tpu.vector_load %arg5[%swap3A_419] {strides = array<i32>} : memref<512xi32, #tpu.memory_space<vmem>>, vector<16xi32>,
    %swap3A_421 = vector.shape_cast %swap3A_420 : vector<16xi32> to vector<16xi32>
    %swap3A_422 = vector.shape_cast %add3A_418 : vector<16xi32> to vector<16xi32>
    tpu.vector_store %arg5[%swap3A_419], %swap3A_422 {strides = array<i32>} : memref<512xi32, #tpu.memory_space<vmem>>, vector<16xi32>,
    %get3A_423 = arith.constant 400 : index
    %get3A_424 = tpu.vector_load %arg5[%get3A_423] {strides = array<i32>} : memref<512xi32, #tpu.memory_space<vmem>>, vector<16xi32>,
    %get3A_425 = vector.shape_cast %get3A_424 : vector<16xi32> to vector<16xi32>
    %shift_right_arithmetic3A_426 = arith.constant 14 : i32
    %shift_right_arithmetic3A_427 = vector.broadcast %shift_right_arithmetic3A_426 : i32 to vector<16xi32>
    %shift_right_arithmetic3A_428 = arith.shrsi %get3A_425, %shift_right_arithmetic3A_427 : vector<16xi32>
    %shift_left3A_429 = arith.constant 13 : i32
    %shift_left3A_430 = vector.broadcast %shift_left3A_429 : i32 to vector<16xi32>
    %shift_left3A_431 = arith.shli %shift_right_arithmetic3A_428, %shift_left3A_430 : vector<16xi32>
    %and3A_432 = arith.constant 8191 : i32
    %and3A_433 = vector.broadcast %and3A_432 : i32 to vector<16xi32>
    %and3A_434 = arith.andi %get3A_425, %and3A_433 : vector<16xi32>
    %add3A_435 = arith.addi %shift_left3A_431, %and3A_434 : vector<16xi32>
    %swap3A_436 = arith.constant 400 : index
    %swap3A_437 = tpu.vector_load %arg5[%swap3A_436] {strides = array<i32>} : memref<512xi32, #tpu.memory_space<vmem>>, vector<16xi32>,
    %swap3A_438 = vector.shape_cast %swap3A_437 : vector<16xi32> to vector<16xi32>
    %swap3A_439 = vector.shape_cast %add3A_435 : vector<16xi32> to vector<16xi32>
    tpu.vector_store %arg5[%swap3A_436], %swap3A_439 {strides = array<i32>} : memref<512xi32, #tpu.memory_space<vmem>>, vector<16xi32>,
    %get3A_440 = arith.constant 416 : index
    %get3A_441 = tpu.vector_load %arg5[%get3A_440] {strides = array<i32>} : memref<512xi32, #tpu.memory_space<vmem>>, vector<16xi32>,
    %get3A_442 = vector.shape_cast %get3A_441 : vector<16xi32> to vector<16xi32>
    %shift_right_arithmetic3A_443 = arith.constant 14 : i32
    %shift_right_arithmetic3A_444 = vector.broadcast %shift_right_arithmetic3A_443 : i32 to vector<16xi32>
    %shift_right_arithmetic3A_445 = arith.shrsi %get3A_442, %shift_right_arithmetic3A_444 : vector<16xi32>
    %shift_left3A_446 = arith.constant 13 : i32
    %shift_left3A_447 = vector.broadcast %shift_left3A_446 : i32 to vector<16xi32>
    %shift_left3A_448 = arith.shli %shift_right_arithmetic3A_445, %shift_left3A_447 : vector<16xi32>
    %and3A_449 = arith.constant 8191 : i32
    %and3A_450 = vector.broadcast %and3A_449 : i32 to vector<16xi32>
    %and3A_451 = arith.andi %get3A_442, %and3A_450 : vector<16xi32>
    %add3A_452 = arith.addi %shift_left3A_448, %and3A_451 : vector<16xi32>
    %swap3A_453 = arith.constant 416 : index
    %swap3A_454 = tpu.vector_load %arg5[%swap3A_453] {strides = array<i32>} : memref<512xi32, #tpu.memory_space<vmem>>, vector<16xi32>,
    %swap3A_455 = vector.shape_cast %swap3A_454 : vector<16xi32> to vector<16xi32>
    %swap3A_456 = vector.shape_cast %add3A_452 : vector<16xi32> to vector<16xi32>
    tpu.vector_store %arg5[%swap3A_453], %swap3A_456 {strides = array<i32>} : memref<512xi32, #tpu.memory_space<vmem>>, vector<16xi32>,
    %get3A_457 = arith.constant 432 : index
    %get3A_458 = tpu.vector_load %arg5[%get3A_457] {strides = array<i32>} : memref<512xi32, #tpu.memory_space<vmem>>, vector<16xi32>,
    %get3A_459 = vector.shape_cast %get3A_458 : vector<16xi32> to vector<16xi32>
    %shift_right_arithmetic3A_460 = arith.constant 14 : i32
    %shift_right_arithmetic3A_461 = vector.broadcast %shift_right_arithmetic3A_460 : i32 to vector<16xi32>
    %shift_right_arithmetic3A_462 = arith.shrsi %get3A_459, %shift_right_arithmetic3A_461 : vector<16xi32>
    %shift_left3A_463 = arith.constant 13 : i32
    %shift_left3A_464 = vector.broadcast %shift_left3A_463 : i32 to vector<16xi32>
    %shift_left3A_465 = arith.shli %shift_right_arithmetic3A_462, %shift_left3A_464 : vector<16xi32>
    %and3A_466 = arith.constant 8191 : i32
    %and3A_467 = vector.broadcast %and3A_466 : i32 to vector<16xi32>
    %and3A_468 = arith.andi %get3A_459, %and3A_467 : vector<16xi32>
    %add3A_469 = arith.addi %shift_left3A_465, %and3A_468 : vector<16xi32>
    %swap3A_470 = arith.constant 432 : index
    %swap3A_471 = tpu.vector_load %arg5[%swap3A_470] {strides = array<i32>} : memref<512xi32, #tpu.memory_space<vmem>>, vector<16xi32>,
    %swap3A_472 = vector.shape_cast %swap3A_471 : vector<16xi32> to vector<16xi32>
    %swap3A_473 = vector.shape_cast %add3A_469 : vector<16xi32> to vector<16xi32>
    tpu.vector_store %arg5[%swap3A_470], %swap3A_473 {strides = array<i32>} : memref<512xi32, #tpu.memory_space<vmem>>, vector<16xi32>,
    %get3A_474 = arith.constant 448 : index
    %get3A_475 = tpu.vector_load %arg5[%get3A_474] {strides = array<i32>} : memref<512xi32, #tpu.memory_space<vmem>>, vector<16xi32>,
    %get3A_476 = vector.shape_cast %get3A_475 : vector<16xi32> to vector<16xi32>
    %shift_right_arithmetic3A_477 = arith.constant 14 : i32
    %shift_right_arithmetic3A_478 = vector.broadcast %shift_right_arithmetic3A_477 : i32 to vector<16xi32>
    %shift_right_arithmetic3A_479 = arith.shrsi %get3A_476, %shift_right_arithmetic3A_478 : vector<16xi32>
    %shift_left3A_480 = arith.constant 13 : i32
    %shift_left3A_481 = vector.broadcast %shift_left3A_480 : i32 to vector<16xi32>
    %shift_left3A_482 = arith.shli %shift_right_arithmetic3A_479, %shift_left3A_481 : vector<16xi32>
    %and3A_483 = arith.constant 8191 : i32
    %and3A_484 = vector.broadcast %and3A_483 : i32 to vector<16xi32>
    %and3A_485 = arith.andi %get3A_476, %and3A_484 : vector<16xi32>
    %add3A_486 = arith.addi %shift_left3A_482, %and3A_485 : vector<16xi32>
    %swap3A_487 = arith.constant 448 : index
    %swap3A_488 = tpu.vector_load %arg5[%swap3A_487] {strides = array<i32>} : memref<512xi32, #tpu.memory_space<vmem>>, vector<16xi32>,
    %swap3A_489 = vector.shape_cast %swap3A_488 : vector<16xi32> to vector<16xi32>
    %swap3A_490 = vector.shape_cast %add3A_486 : vector<16xi32> to vector<16xi32>
    tpu.vector_store %arg5[%swap3A_487], %swap3A_490 {strides = array<i32>} : memref<512xi32, #tpu.memory_space<vmem>>, vector<16xi32>,
    %get3A_491 = arith.constant 464 : index
    %get3A_492 = tpu.vector_load %arg5[%get3A_491] {strides = array<i32>} : memref<512xi32, #tpu.memory_space<vmem>>, vector<16xi32>,
    %get3A_493 = vector.shape_cast %get3A_492 : vector<16xi32> to vector<16xi32>
    %shift_right_arithmetic3A_494 = arith.constant 14 : i32
    %shift_right_arithmetic3A_495 = vector.broadcast %shift_right_arithmetic3A_494 : i32 to vector<16xi32>
    %shift_right_arithmetic3A_496 = arith.shrsi %get3A_493, %shift_right_arithmetic3A_495 : vector<16xi32>
    %shift_left3A_497 = arith.constant 13 : i32
    %shift_left3A_498 = vector.broadcast %shift_left3A_497 : i32 to vector<16xi32>
    %shift_left3A_499 = arith.shli %shift_right_arithmetic3A_496, %shift_left3A_498 : vector<16xi32>
    %and3A_500 = arith.constant 8191 : i32
    %and3A_501 = vector.broadcast %and3A_500 : i32 to vector<16xi32>
    %and3A_502 = arith.andi %get3A_493, %and3A_501 : vector<16xi32>
    %add3A_503 = arith.addi %shift_left3A_499, %and3A_502 : vector<16xi32>
    %swap3A_504 = arith.constant 464 : index
    %swap3A_505 = tpu.vector_load %arg5[%swap3A_504] {strides = array<i32>} : memref<512xi32, #tpu.memory_space<vmem>>, vector<16xi32>,
    %swap3A_506 = vector.shape_cast %swap3A_505 : vector<16xi32> to vector<16xi32>
    %swap3A_507 = vector.shape_cast %add3A_503 : vector<16xi32> to vector<16xi32>
    tpu.vector_store %arg5[%swap3A_504], %swap3A_507 {strides = array<i32>} : memref<512xi32, #tpu.memory_space<vmem>>, vector<16xi32>,
    %get3A_508 = arith.constant 480 : index
    %get3A_509 = tpu.vector_load %arg5[%get3A_508] {strides = array<i32>} : memref<512xi32, #tpu.memory_space<vmem>>, vector<16xi32>,
    %get3A_510 = vector.shape_cast %get3A_509 : vector<16xi32> to vector<16xi32>
    %shift_right_arithmetic3A_511 = arith.constant 14 : i32
    %shift_right_arithmetic3A_512 = vector.broadcast %shift_right_arithmetic3A_511 : i32 to vector<16xi32>
    %shift_right_arithmetic3A_513 = arith.shrsi %get3A_510, %shift_right_arithmetic3A_512 : vector<16xi32>
    %shift_left3A_514 = arith.constant 13 : i32
    %shift_left3A_515 = vector.broadcast %shift_left3A_514 : i32 to vector<16xi32>
    %shift_left3A_516 = arith.shli %shift_right_arithmetic3A_513, %shift_left3A_515 : vector<16xi32>
    %and3A_517 = arith.constant 8191 : i32
    %and3A_518 = vector.broadcast %and3A_517 : i32 to vector<16xi32>
    %and3A_519 = arith.andi %get3A_510, %and3A_518 : vector<16xi32>
    %add3A_520 = arith.addi %shift_left3A_516, %and3A_519 : vector<16xi32>
    %swap3A_521 = arith.constant 480 : index
    %swap3A_522 = tpu.vector_load %arg5[%swap3A_521] {strides = array<i32>} : memref<512xi32, #tpu.memory_space<vmem>>, vector<16xi32>,
    %swap3A_523 = vector.shape_cast %swap3A_522 : vector<16xi32> to vector<16xi32>
    %swap3A_524 = vector.shape_cast %add3A_520 : vector<16xi32> to vector<16xi32>
    tpu.vector_store %arg5[%swap3A_521], %swap3A_524 {strides = array<i32>} : memref<512xi32, #tpu.memory_space<vmem>>, vector<16xi32>,
    %get3A_525 = arith.constant 496 : index
    %get3A_526 = tpu.vector_load %arg5[%get3A_525] {strides = array<i32>} : memref<512xi32, #tpu.memory_space<vmem>>, vector<16xi32>,
    %get3A_527 = vector.shape_cast %get3A_526 : vector<16xi32> to vector<16xi32>
    %shift_right_arithmetic3A_528 = arith.constant 14 : i32
    %shift_right_arithmetic3A_529 = vector.broadcast %shift_right_arithmetic3A_528 : i32 to vector<16xi32>
    %shift_right_arithmetic3A_530 = arith.shrsi %get3A_527, %shift_right_arithmetic3A_529 : vector<16xi32>
    %shift_left3A_531 = arith.constant 13 : i32
    %shift_left3A_532 = vector.broadcast %shift_left3A_531 : i32 to vector<16xi32>
    %shift_left3A_533 = arith.shli %shift_right_arithmetic3A_530, %shift_left3A_532 : vector<16xi32>
    %and3A_534 = arith.constant 8191 : i32
    %and3A_535 = vector.broadcast %and3A_534 : i32 to vector<16xi32>
    %and3A_536 = arith.andi %get3A_527, %and3A_535 : vector<16xi32>
    %add3A_537 = arith.addi %shift_left3A_533, %and3A_536 : vector<16xi32>
    %swap3A_538 = arith.constant 496 : index
    %swap3A_539 = tpu.vector_load %arg5[%swap3A_538] {strides = array<i32>} : memref<512xi32, #tpu.memory_space<vmem>>, vector<16xi32>,
    %swap3A_540 = vector.shape_cast %swap3A_539 : vector<16xi32> to vector<16xi32>
    %swap3A_541 = vector.shape_cast %add3A_537 : vector<16xi32> to vector<16xi32>
    tpu.vector_store %arg5[%swap3A_538], %swap3A_541 {strides = array<i32>} : memref<512xi32, #tpu.memory_space<vmem>>, vector<16xi32>,
    %dma_start3A = arith.constant 0 : i32
    %dma_start3A_542 = arith.constant 0 : i32
    %dma_start3A_543 = tpu.memref_slice %arg6[%dma_start3A, %dma_start3A_542] : memref<512x128xf32, #tpu.memory_space<vmem>> -> memref<128x128xf32, #tpu.memory_space<vmem>>
    %dma_start3A_544 = arith.constant 0 : i32
    %dma_start3A_545 = tpu.memref_slice %arg5[%dma_start3A_544] : memref<512xi32, #tpu.memory_space<vmem>> -> memref<128xi32, #tpu.memory_space<vmem>>
    %dma_start3A_546 = arith.constant 0 : i32
    %dma_start3A_547 = arith.constant 0 : i32
    %dma_start3A_548 = tpu.memref_slice %arg3[%dma_start3A_546, %dma_start3A_547] : memref<507904x128xf32, #tpu.memory_space<hbm>> -> memref<507904x128xf32, #tpu.memory_space<hbm>>
    tpu.enqueue_indirect_dma source(%dma_start3A_548 : memref<507904x128xf32, #tpu.memory_space<hbm>>) target(%dma_start3A_543 : memref<128x128xf32, #tpu.memory_space<vmem>>) offsets(%dma_start3A_545 : memref<128xi32, #tpu.memory_space<vmem>>) semaphore(%arg7 : memref<!tpu.dma_semaphore, #tpu.memory_space<semaphore_mem>>)
    %dma_start3A_549 = arith.constant 128 : i32
    %dma_start3A_550 = arith.constant 0 : i32
    %dma_start3A_551 = tpu.memref_slice %arg6[%dma_start3A_549, %dma_start3A_550] : memref<512x128xf32, #tpu.memory_space<vmem>> -> memref<128x128xf32, #tpu.memory_space<vmem>>
    %dma_start3A_552 = arith.constant 128 : i32
    %dma_start3A_553 = tpu.memref_slice %arg5[%dma_start3A_552] : memref<512xi32, #tpu.memory_space<vmem>> -> memref<128xi32, #tpu.memory_space<vmem>>
    %dma_start3A_554 = arith.constant 0 : i32
    %dma_start3A_555 = arith.constant 0 : i32
    %dma_start3A_556 = tpu.memref_slice %arg3[%dma_start3A_554, %dma_start3A_555] : memref<507904x128xf32, #tpu.memory_space<hbm>> -> memref<507904x128xf32, #tpu.memory_space<hbm>>
    tpu.enqueue_indirect_dma source(%dma_start3A_556 : memref<507904x128xf32, #tpu.memory_space<hbm>>) target(%dma_start3A_551 : memref<128x128xf32, #tpu.memory_space<vmem>>) offsets(%dma_start3A_553 : memref<128xi32, #tpu.memory_space<vmem>>) semaphore(%arg7 : memref<!tpu.dma_semaphore, #tpu.memory_space<semaphore_mem>>)
    %dma_start3A_557 = arith.constant 256 : i32
    %dma_start3A_558 = arith.constant 0 : i32
    %dma_start3A_559 = tpu.memref_slice %arg6[%dma_start3A_557, %dma_start3A_558] : memref<512x128xf32, #tpu.memory_space<vmem>> -> memref<128x128xf32, #tpu.memory_space<vmem>>
    %dma_start3A_560 = arith.constant 256 : i32
    %dma_start3A_561 = tpu.memref_slice %arg5[%dma_start3A_560] : memref<512xi32, #tpu.memory_space<vmem>> -> memref<128xi32, #tpu.memory_space<vmem>>
    %dma_start3A_562 = arith.constant 0 : i32
    %dma_start3A_563 = arith.constant 0 : i32
    %dma_start3A_564 = tpu.memref_slice %arg3[%dma_start3A_562, %dma_start3A_563] : memref<507904x128xf32, #tpu.memory_space<hbm>> -> memref<507904x128xf32, #tpu.memory_space<hbm>>
    tpu.enqueue_indirect_dma source(%dma_start3A_564 : memref<507904x128xf32, #tpu.memory_space<hbm>>) target(%dma_start3A_559 : memref<128x128xf32, #tpu.memory_space<vmem>>) offsets(%dma_start3A_561 : memref<128xi32, #tpu.memory_space<vmem>>) semaphore(%arg7 : memref<!tpu.dma_semaphore, #tpu.memory_space<semaphore_mem>>)
    %dma_start3A_565 = arith.constant 384 : i32
    %dma_start3A_566 = arith.constant 0 : i32
    %dma_start3A_567 = tpu.memref_slice %arg6[%dma_start3A_565, %dma_start3A_566] : memref<512x128xf32, #tpu.memory_space<vmem>> -> memref<128x128xf32, #tpu.memory_space<vmem>>
    %dma_start3A_568 = arith.constant 384 : i32
    %dma_start3A_569 = tpu.memref_slice %arg5[%dma_start3A_568] : memref<512xi32, #tpu.memory_space<vmem>> -> memref<128xi32, #tpu.memory_space<vmem>>
    %dma_start3A_570 = arith.constant 0 : i32
    %dma_start3A_571 = arith.constant 0 : i32
    %dma_start3A_572 = tpu.memref_slice %arg3[%dma_start3A_570, %dma_start3A_571] : memref<507904x128xf32, #tpu.memory_space<hbm>> -> memref<507904x128xf32, #tpu.memory_space<hbm>>
    tpu.enqueue_indirect_dma source(%dma_start3A_572 : memref<507904x128xf32, #tpu.memory_space<hbm>>) target(%dma_start3A_567 : memref<128x128xf32, #tpu.memory_space<vmem>>) offsets(%dma_start3A_569 : memref<128xi32, #tpu.memory_space<vmem>>) semaphore(%arg7 : memref<!tpu.dma_semaphore, #tpu.memory_space<semaphore_mem>>)
    %dma_wait3A = arith.constant 0 : i32
    %dma_wait3A_573 = arith.constant 0 : i32
    %dma_wait3A_574 = tpu.memref_slice %arg6[%dma_wait3A, %dma_wait3A_573] : memref<512x128xf32, #tpu.memory_space<vmem>> -> memref<128x128xf32, #tpu.memory_space<vmem>>
    %dma_wait3A_575 = arith.constant 0 : i32
    %dma_wait3A_576 = tpu.memref_slice %arg5[%dma_wait3A_575] : memref<512xi32, #tpu.memory_space<vmem>> -> memref<128xi32, #tpu.memory_space<vmem>>
    %dma_wait3A_577 = arith.constant 0 : i32
    %dma_wait3A_578 = arith.constant 0 : i32
    %dma_wait3A_579 = tpu.memref_slice %arg3[%dma_wait3A_577, %dma_wait3A_578] : memref<507904x128xf32, #tpu.memory_space<hbm>> -> memref<507904x128xf32, #tpu.memory_space<hbm>>
    tpu.wait_indirect_dma semaphore(%arg7 : memref<!tpu.dma_semaphore, #tpu.memory_space<semaphore_mem>>) src(%dma_wait3A_579 : memref<507904x128xf32, #tpu.memory_space<hbm>>) dst(%dma_wait3A_574 : memref<128x128xf32, #tpu.memory_space<vmem>>)
    %dma_wait3A_580 = arith.constant 128 : i32
    %dma_wait3A_581 = arith.constant 0 : i32
    %dma_wait3A_582 = tpu.memref_slice %arg6[%dma_wait3A_580, %dma_wait3A_581] : memref<512x128xf32, #tpu.memory_space<vmem>> -> memref<128x128xf32, #tpu.memory_space<vmem>>
    %dma_wait3A_583 = arith.constant 128 : i32
    %dma_wait3A_584 = tpu.memref_slice %arg5[%dma_wait3A_583] : memref<512xi32, #tpu.memory_space<vmem>> -> memref<128xi32, #tpu.memory_space<vmem>>
    %dma_wait3A_585 = arith.constant 0 : i32
    %dma_wait3A_586 = arith.constant 0 : i32
    %dma_wait3A_587 = tpu.memref_slice %arg3[%dma_wait3A_585, %dma_wait3A_586] : memref<507904x128xf32, #tpu.memory_space<hbm>> -> memref<507904x128xf32, #tpu.memory_space<hbm>>
    tpu.wait_indirect_dma semaphore(%arg7 : memref<!tpu.dma_semaphore, #tpu.memory_space<semaphore_mem>>) src(%dma_wait3A_587 : memref<507904x128xf32, #tpu.memory_space<hbm>>) dst(%dma_wait3A_582 : memref<128x128xf32, #tpu.memory_space<vmem>>)
    %dma_wait3A_588 = arith.constant 256 : i32
    %dma_wait3A_589 = arith.constant 0 : i32
    %dma_wait3A_590 = tpu.memref_slice %arg6[%dma_wait3A_588, %dma_wait3A_589] : memref<512x128xf32, #tpu.memory_space<vmem>> -> memref<128x128xf32, #tpu.memory_space<vmem>>
    %dma_wait3A_591 = arith.constant 256 : i32
    %dma_wait3A_592 = tpu.memref_slice %arg5[%dma_wait3A_591] : memref<512xi32, #tpu.memory_space<vmem>> -> memref<128xi32, #tpu.memory_space<vmem>>
    %dma_wait3A_593 = arith.constant 0 : i32
    %dma_wait3A_594 = arith.constant 0 : i32
    %dma_wait3A_595 = tpu.memref_slice %arg3[%dma_wait3A_593, %dma_wait3A_594] : memref<507904x128xf32, #tpu.memory_space<hbm>> -> memref<507904x128xf32, #tpu.memory_space<hbm>>
    tpu.wait_indirect_dma semaphore(%arg7 : memref<!tpu.dma_semaphore, #tpu.memory_space<semaphore_mem>>) src(%dma_wait3A_595 : memref<507904x128xf32, #tpu.memory_space<hbm>>) dst(%dma_wait3A_590 : memref<128x128xf32, #tpu.memory_space<vmem>>)
    %dma_wait3A_596 = arith.constant 384 : i32
    %dma_wait3A_597 = arith.constant 0 : i32
    %dma_wait3A_598 = tpu.memref_slice %arg6[%dma_wait3A_596, %dma_wait3A_597] : memref<512x128xf32, #tpu.memory_space<vmem>> -> memref<128x128xf32, #tpu.memory_space<vmem>>
    %dma_wait3A_599 = arith.constant 384 : i32
    %dma_wait3A_600 = tpu.memref_slice %arg5[%dma_wait3A_599] : memref<512xi32, #tpu.memory_space<vmem>> -> memref<128xi32, #tpu.memory_space<vmem>>
    %dma_wait3A_601 = arith.constant 0 : i32
    %dma_wait3A_602 = arith.constant 0 : i32
    %dma_wait3A_603 = tpu.memref_slice %arg3[%dma_wait3A_601, %dma_wait3A_602] : memref<507904x128xf32, #tpu.memory_space<hbm>> -> memref<507904x128xf32, #tpu.memory_space<hbm>>
    tpu.wait_indirect_dma semaphore(%arg7 : memref<!tpu.dma_semaphore, #tpu.memory_space<semaphore_mem>>) src(%dma_wait3A_603 : memref<507904x128xf32, #tpu.memory_space<hbm>>) dst(%dma_wait3A_598 : memref<128x128xf32, #tpu.memory_space<vmem>>)
    "tpu.region"() ({
      %run_scoped3A = tpu.sem_alloc : memref<!tpu.dma_semaphore, #tpu.memory_space<semaphore_mem>>
      %dma_start3A_604 = arith.constant 0 : i32
      %dma_start3A_605 = tpu.memref_slice %arg4[%mul3A_2, %dma_start3A_604] : memref<16384x128xf32, #tpu.memory_space<hbm>> -> memref<512x128xf32, #tpu.memory_space<hbm>>
      %dma_start3A_606 = arith.constant 0 : i32
      %dma_start3A_607 = tpu.memref_slice %arg4[%mul3A_2, %dma_start3A_606] : memref<16384x128xf32, #tpu.memory_space<hbm>> -> memref<512x128xf32, #tpu.memory_space<hbm>>
      tpu.enqueue_dma source(%arg6 : memref<512x128xf32, #tpu.memory_space<vmem>>) target(%dma_start3A_607 : memref<512x128xf32, #tpu.memory_space<hbm>>) target_semaphore(%run_scoped3A : memref<!tpu.dma_semaphore, #tpu.memory_space<semaphore_mem>>)
      %dma_wait3A_608 = arith.constant 0 : i32
      %dma_wait3A_609 = tpu.memref_slice %arg4[%mul3A_2, %dma_wait3A_608] : memref<16384x128xf32, #tpu.memory_space<hbm>> -> memref<512x128xf32, #tpu.memory_space<hbm>>
      %dma_wait3A_610 = arith.constant 0 : i32
      %dma_wait3A_611 = tpu.memref_slice %arg4[%mul3A_2, %dma_wait3A_610] : memref<16384x128xf32, #tpu.memory_space<hbm>> -> memref<512x128xf32, #tpu.memory_space<hbm>>
      tpu.wait_dma2 semaphore(%run_scoped3A : memref<!tpu.dma_semaphore, #tpu.memory_space<semaphore_mem>>) src(%arg6 : memref<512x128xf32, #tpu.memory_space<vmem>>) dst(%dma_wait3A_611 : memref<512x128xf32, #tpu.memory_space<hbm>>)
      tpu.yield
    }) : () -> ()
    return
  }
}

module attributes {stable_mosaic.version = 14 : i64} {
  func.func @_transpose_body(%arg0: i32, %arg1: memref<64x16384xf32, #tpu.memory_space<vmem>>, %arg2: memref<8192x128xf32, #tpu.memory_space<vmem>>) attributes {dimension_semantics = [#tpu.dimension_semantics<arbitrary>], iteration_bounds = array<i64: 62>, scalar_prefetch = 0 : i64, scratch_operands = 0 : i64, tpu.core_type = #tpu.core_type<tc>, window_params = [{transform_indices = @transform_0, window_bounds = array<i64: 64, 16384>}, {transform_indices = @transform_1, window_bounds = array<i64: 8192, 128>}]} {
    %get3A = arith.constant 0 : index
    %get3A_0 = arith.constant 0 : index
    %get3A_1 = vector.load %arg1[%get3A, %get3A_0] : memref<64x16384xf32, #tpu.memory_space<vmem>>, vector<64x16384xf32>
    %iota3A = tpu.iota {dimensions = array<i32: 0>} : vector<64x64xi32>
    %iota3A_2 = tpu.iota {dimensions = array<i32: 1>} : vector<64x64xi32>
    %eq3A = arith.cmpi eq, %iota3A, %iota3A_2 : vector<64x64xi32>
    %convert_element_type3A = arith.extui %eq3A : vector<64x64xi1> to vector<64x64xi32>
    %convert_element_type3A_3 = arith.sitofp %convert_element_type3A : vector<64x64xi32> to vector<64x64xf32>
    %slice3A = vector.extract_strided_slice %get3A_1 {offsets = [0, 0], sizes = [64, 8192], strides = [1, 1]} : vector<64x16384xf32> to vector<64x8192xf32>
    %dot_general3A = arith.constant dense<0.000000e+00> : vector<8192x64xf32>
    %dot_general3A_4 = tpu.matmul %slice3A, %convert_element_type3A_3, %dot_general3A {dimension_numbers = #tpu.dot_dimension_numbers<[0], [0], [1], [1], [0, 1, 1, 1], [], []>, transpose_lhs_hint = false} : vector<64x8192xf32>, vector<64x64xf32>, vector<8192x64xf32> -> vector<8192x64xf32>
    %slice3A_5 = vector.extract_strided_slice %get3A_1 {offsets = [0, 8192], sizes = [64, 8192], strides = [1, 1]} : vector<64x16384xf32> to vector<64x8192xf32>
    %dot_general3A_6 = arith.constant dense<0.000000e+00> : vector<8192x64xf32>
    %dot_general3A_7 = tpu.matmul %slice3A_5, %convert_element_type3A_3, %dot_general3A_6 {dimension_numbers = #tpu.dot_dimension_numbers<[0], [0], [1], [1], [0, 1, 1, 1], [], []>, transpose_lhs_hint = false} : vector<64x8192xf32>, vector<64x64xf32>, vector<8192x64xf32> -> vector<8192x64xf32>
    %concatenate3A = tpu.concatenate %dot_general3A_4, %dot_general3A_7 in 1 : vector<8192x64xf32>, vector<8192x64xf32> -> vector<8192x128xf32>
    %swap3A = arith.constant 0 : index
    %swap3A_8 = arith.constant 0 : index
    %swap3A_9 = vector.load %arg2[%swap3A, %swap3A_8] : memref<8192x128xf32, #tpu.memory_space<vmem>>, vector<8192x128xf32>
    tpu.vector_store %arg2[%swap3A, %swap3A_8], %concatenate3A {strides = array<i32>} : memref<8192x128xf32, #tpu.memory_space<vmem>>, vector<8192x128xf32>,
    return
  }
  func.func @transform_0(%arg0: i32) -> (i32, i32) {
    %c0_i32 = arith.constant 0 : i32
    %c0_i32_0 = arith.constant 0 : i32
    return %c0_i32, %arg0 : i32, i32
  }
  func.func @transform_1(%arg0: i32) -> (i32, i32) {
    %c0_i32 = arith.constant 0 : i32
    %c0_i32_0 = arith.constant 0 : i32
    return %arg0, %c0_i32 : i32, i32
  }
}

module attributes {stable_mosaic.version = 14 : i64} {
  func.func @_mlp_body(%arg0: i32, %arg1: memref<2048x128xf32, #tpu.memory_space<vmem>>, %arg2: memref<2048x1xi32, #tpu.memory_space<vmem>>, %arg3: memref<64x64xf32, #tpu.memory_space<vmem>>, %arg4: memref<1x64xf32, #tpu.memory_space<vmem>>, %arg5: memref<64x64xf32, #tpu.memory_space<vmem>>, %arg6: memref<1x64xf32, #tpu.memory_space<vmem>>, %arg7: memref<64x2048xf32, #tpu.memory_space<vmem>>) attributes {dimension_semantics = [#tpu.dimension_semantics<arbitrary>], iteration_bounds = array<i64: 8>, scalar_prefetch = 0 : i64, scratch_operands = 0 : i64, tpu.core_type = #tpu.core_type<tc>, window_params = [{transform_indices = @transform_0, window_bounds = array<i64: 2048, 128>}, {transform_indices = @transform_1, window_bounds = array<i64: 2048, 1>}, {pipeline_mode = #tpu.pipeline_mode<synchronous>, transform_indices = @transform_2, window_bounds = array<i64: 64, 64>}, {pipeline_mode = #tpu.pipeline_mode<synchronous>, transform_indices = @transform_3, window_bounds = array<i64: 1, 64>}, {pipeline_mode = #tpu.pipeline_mode<synchronous>, transform_indices = @transform_4, window_bounds = array<i64: 64, 64>}, {pipeline_mode = #tpu.pipeline_mode<synchronous>, transform_indices = @transform_5, window_bounds = array<i64: 1, 64>}, {transform_indices = @transform_6, window_bounds = array<i64: 64, 2048>}]} {
    %get3A = arith.constant 0 : index
    %get3A_0 = arith.constant 0 : index
    %get3A_1 = vector.load %arg1[%get3A, %get3A_0] : memref<2048x128xf32, #tpu.memory_space<vmem>>, vector<2048x128xf32>
    %get3A_2 = arith.constant 0 : index
    %get3A_3 = arith.constant 0 : index
    %get3A_4 = vector.load %arg2[%get3A_2, %get3A_3] : memref<2048x1xi32, #tpu.memory_space<vmem>>, vector<2048x1xi32>
    %shift_right_arithmetic3A = arith.constant 13 : i32
    %shift_right_arithmetic3A_5 = vector.broadcast %shift_right_arithmetic3A : i32 to vector<2048x1xi32>
    %shift_right_arithmetic3A_6 = arith.shrsi %get3A_4, %shift_right_arithmetic3A_5 : vector<2048x1xi32>
    %and3A = arith.constant 1 : i32
    %and3A_7 = vector.broadcast %and3A : i32 to vector<2048x1xi32>
    %and3A_8 = arith.andi %shift_right_arithmetic3A_6, %and3A_7 : vector<2048x1xi32>
    %eq3A = arith.constant 1 : i32
    %eq3A_9 = vector.broadcast %eq3A : i32 to vector<2048x1xi32>
    %eq3A_10 = arith.cmpi eq, %and3A_8, %eq3A_9 : vector<2048x1xi32>
    %slice3A = vector.extract_strided_slice %get3A_1 {offsets = [0, 64], sizes = [2048, 64], strides = [1, 1]} : vector<2048x128xf32> to vector<2048x64xf32>
    %slice3A_11 = vector.extract_strided_slice %get3A_1 {offsets = [0, 0], sizes = [2048, 64], strides = [1, 1]} : vector<2048x128xf32> to vector<2048x64xf32>
    %broadcast_in_dim3A = vector.shape_cast %eq3A_10 : vector<2048x1xi1> to vector<2048x1xi1>
    %broadcast_in_dim3A_12 = vector.broadcast %broadcast_in_dim3A : vector<2048x1xi1> to vector<2048x64xi1>
    %select_n3A = arith.select %broadcast_in_dim3A_12, %slice3A, %slice3A_11 : vector<2048x64xi1>, vector<2048x64xf32>
    %get3A_13 = arith.constant 0 : index
    %get3A_14 = arith.constant 0 : index
    %get3A_15 = vector.load %arg3[%get3A_13, %get3A_14] : memref<64x64xf32, #tpu.memory_space<vmem>>, vector<64x64xf32>
    %dot_general3A = arith.constant dense<0.000000e+00> : vector<2048x64xf32>
    %dot_general3A_16 = tpu.matmul %select_n3A, %get3A_15, %dot_general3A {dimension_numbers = #tpu.dot_dimension_numbers<[1], [0], [0], [1], [0, 0, 1, 1], [], []>, transpose_lhs_hint = false} : vector<2048x64xf32>, vector<64x64xf32>, vector<2048x64xf32> -> vector<2048x64xf32>
    %get3A_17 = arith.constant 0 : index
    %get3A_18 = arith.constant 0 : index
    %get3A_19 = vector.load %arg4[%get3A_17, %get3A_18] : memref<1x64xf32, #tpu.memory_space<vmem>>, vector<1x64xf32>
    %add3A = vector.broadcast %get3A_19 : vector<1x64xf32> to vector<2048x64xf32>
    %add3A_20 = arith.addf %dot_general3A_16, %add3A : vector<2048x64xf32>
    %logistic3A = arith.negf %add3A_20 : vector<2048x64xf32>
    %logistic3A_21 = math.exp %logistic3A : vector<2048x64xf32>
    %logistic3A_22 = arith.constant 1.000000e+00 : f32
    %logistic3A_23 = vector.broadcast %logistic3A_22 : f32 to vector<2048x64xf32>
    %logistic3A_24 = arith.addf %logistic3A_23, %logistic3A_21 : vector<2048x64xf32>
    %logistic3A_25 = arith.divf %logistic3A_23, %logistic3A_24 : vector<2048x64xf32>
    %mul3A = arith.mulf %add3A_20, %logistic3A_25 : vector<2048x64xf32>
    %get3A_26 = arith.constant 0 : index
    %get3A_27 = arith.constant 0 : index
    %get3A_28 = vector.load %arg5[%get3A_26, %get3A_27] : memref<64x64xf32, #tpu.memory_space<vmem>>, vector<64x64xf32>
    %dot_general3A_29 = arith.constant dense<0.000000e+00> : vector<64x2048xf32>
    %dot_general3A_30 = tpu.matmul %get3A_28, %mul3A, %dot_general3A_29 {dimension_numbers = #tpu.dot_dimension_numbers<[0], [1], [1], [0], [0, 1, 1, 0], [], []>, transpose_lhs_hint = false} : vector<64x64xf32>, vector<2048x64xf32>, vector<64x2048xf32> -> vector<64x2048xf32>
    %get3A_31 = arith.constant 0 : index
    %get3A_32 = arith.constant 0 : index
    %get3A_33 = vector.load %arg6[%get3A_31, %get3A_32] : memref<1x64xf32, #tpu.memory_space<vmem>>, vector<1x64xf32>
    %reshape3A = vector.shape_cast %get3A_33 : vector<1x64xf32> to vector<64x1xf32>
    %add3A_34 = vector.broadcast %reshape3A : vector<64x1xf32> to vector<64x2048xf32>
    %add3A_35 = arith.addf %dot_general3A_30, %add3A_34 : vector<64x2048xf32>
    %swap3A = arith.constant 0 : index
    %swap3A_36 = arith.constant 0 : index
    %swap3A_37 = vector.load %arg7[%swap3A, %swap3A_36] : memref<64x2048xf32, #tpu.memory_space<vmem>>, vector<64x2048xf32>
    tpu.vector_store %arg7[%swap3A, %swap3A_36], %add3A_35 {strides = array<i32>} : memref<64x2048xf32, #tpu.memory_space<vmem>>, vector<64x2048xf32>,
    return
  }
  func.func @transform_0(%arg0: i32) -> (i32, i32) {
    %c0_i32 = arith.constant 0 : i32
    %c0_i32_0 = arith.constant 0 : i32
    return %arg0, %c0_i32 : i32, i32
  }
  func.func @transform_1(%arg0: i32) -> (i32, i32) {
    %c0_i32 = arith.constant 0 : i32
    %c0_i32_0 = arith.constant 0 : i32
    return %arg0, %c0_i32 : i32, i32
  }
  func.func @transform_2(%arg0: i32) -> (i32, i32) {
    %c0_i32 = arith.constant 0 : i32
    %c0_i32_0 = arith.constant 0 : i32
    %c0_i32_1 = arith.constant 0 : i32
    return %c0_i32, %c0_i32_0 : i32, i32
  }
  func.func @transform_3(%arg0: i32) -> (i32, i32) {
    %c0_i32 = arith.constant 0 : i32
    %c0_i32_0 = arith.constant 0 : i32
    %c0_i32_1 = arith.constant 0 : i32
    return %c0_i32, %c0_i32_0 : i32, i32
  }
  func.func @transform_4(%arg0: i32) -> (i32, i32) {
    %c0_i32 = arith.constant 0 : i32
    %c0_i32_0 = arith.constant 0 : i32
    %c0_i32_1 = arith.constant 0 : i32
    return %c0_i32, %c0_i32_0 : i32, i32
  }
  func.func @transform_5(%arg0: i32) -> (i32, i32) {
    %c0_i32 = arith.constant 0 : i32
    %c0_i32_0 = arith.constant 0 : i32
    %c0_i32_1 = arith.constant 0 : i32
    return %c0_i32, %c0_i32_0 : i32, i32
  }
  func.func @transform_6(%arg0: i32) -> (i32, i32) {
    %c0_i32 = arith.constant 0 : i32
    %c0_i32_0 = arith.constant 0 : i32
    return %c0_i32, %arg0 : i32, i32
  }
}

</mosaic_0001>

<sc_bundles>
// kernel: kernel.5.cloned.1.call-start
scs
__scs_entry_jumppad:
0x0: {  	(pc) =	sbr.rel $0x88, $3  }
0x1: {  	(tag) =	ssettag $0x0;
	lr =	simm.s32 $0x1  }
0x2: {  	[smem:$0x3F9B] =	sst lr;
	_ =	strace $0xD0000000  }
0x3: {  	_ = 	snop  }
0x4: {  	_ = 	snop  }
0x5: {  	_ = 	snop  }
0x6: {  	_ = 	snop  }
0x7: {  	_ = 	snop  }
__scs_overlays_trampoline_lowered:
0x8: {  	[smem:$0x3FAA] =	sst s0  }
0x9: {  	[smem:$0x3FAB] =	sst s1  }
0xa: {  	[smem:$0x3FAC] =	sst s2  }
0xb: {  	[smem:$0x3FAD] =	sst s3  }
0xc: {  	[smem:$0x3FAE] =	sst s4  }
0xd: {  	[smem:$0x3FAF] =	sst s5  }
0xe: {  	[smem:$0x3FB0] =	sst s6  }
0xf: {  	[smem:$0x3FB1] =	sst s7  }
0x10: {  	[smem:$0x3FB2] =	sst s8  }
0x11: {  	[smem:$0x3FB3] =	sst s9;
	s0 =	simm.s32 @!p0 $0x0  }
0x12: {  	s1 =	sld [smem:$0x3F99];
	s0 =	simm.s32 @p0 $0x1  }
0x13: {  	[smem:$0x3FB4] =	sst s0;
	s0 =	simm.s32 @!p1 $0x0  }
0x14: {  	s2 =	sld [smem:$0x3F98];
	s0 =	simm.s32 @p1 $0x1  }
0x15: {  	[smem:$0x3FB5] =	sst s0;
	s0 =	simm.s32 @!p2 $0x0  }
0x16: {  	s3 =	sld [smem:$0x3FDB];
	s0 =	simm.s32 @p2 $0x1  }
0x17: {  	s4 =	simm.s32 $0x1BF5;
	[smem:$0x3FB7] =	sst s0  }
0x18: {  	s0 =	sld [smem:$0x3F9A];
	_ =	swait.ge [sflag:s4], $0x0  }
0x19: {  	s7 =	sld [smem:$0x3F9B]  }
0x1a: {  	s8 =	sadd.s32 $0xFFFFE003, lr  }
0x1b: {  	s9 =	sadd.s32 $0xFFFFFEF7, lr;
	s5 =	simm.s32 $0xFFFFFFFF;
	p2 =	slt.u32 s8, $0xFFFFF086  }
0x1c: {  	p1 =	slt.u32 s9, $0xF7A;
	s5 =	simm.s32 @!p2 $0x0  }
0x1d: {  	s5 =	simm.s32 @p1 $0x1;
	p0 =	seq.s32 s7, s2  }
0x1e: {  	s7 =	smul.u32 @!p0 $0xF7A, s2;
	p2 =	seq.s32 @!p0 s5, $0x0  }
0x1f: {  	s9 =	smul.u32 $0xF7A, s1;
	s8 =	simm.s32 @!p0 $0x1BF5;
	p2 =	por !p2, p0  }
0x20: {  	[sflag:s8] =	ssyncset.s32 @!p0 $0xFFFFF086;
	s6 =	sadd.s32 @!p0 s3, s7;
	s7 =	simm.s32 @!p0 $0x108  }
0x21: {  	s3 =	sadd.s32 s3, s9;
	s6 =	sadd.s32 @!p0 $0x88, s6;
	s7 =	simm.s32 @p2 $0x1082  }
0x22: {  	[simem:s7], [sflag:s8] =	dma.local @!p0 [hbm:s6], $0xF7A  }
0x23: {  	s9 =	sor.u32 $0xD0000000, s2;
	s6 =	simm.s32 $0x108;
	_ =	swait.ge @!p0 [sflag:s8], $0x0  }
0x24: {  	s3 =	sadd.s32 $0x88, s3;
	s6 =	simm.s32 @!p1 $0x1082;
	[sflag:s4] =	ssyncset.s32 $0xFFFFF086  }
0x25: {  	[simem:s6], [sflag:s4] =	dma.local [hbm:s3], $0xF7A  }
0x26: {  	[smem:$0x3F9B] =	sst s1;
	(tag) =	ssettag s2;
	_ =	strace s9  }
0x27: {  	s1 =	sld [smem:$0x3FAB]  }
0x28: {  	s2 =	sld [smem:$0x3FAC]  }
0x29: {  	s4 =	sld [smem:$0x3FAE]  }
0x2a: {  	p0 =	seq.s32 s5, $0x0;
	s5 =	sld [smem:$0x3FAF]  }
0x2b: {  	s6 =	sld [smem:$0x3FB0]  }
0x2c: {  	s7 =	sld [smem:$0x3FB1]  }
0x2d: {  	s3 =	simm.s32 $0x108;
	s8 =	sld [smem:$0x3FB2]  }
0x2e: {  	s3 =	simm.s32 @!p0 $0x1082;
	s9 =	sld [smem:$0x3FB3]  }
0x2f: {  	lr =	sadd.s32 s0, s3;
	s0 =	sld [smem:$0x3FAA]  }
0x30: {  	s3 =	sld [smem:$0x3FAD]  }
0x31: {  	[smem:$0x3FB6] =	sst s10  }
0x32: {  	s10 =	sld [smem:$0x3FB4];
	_ =	sdelay $0x3  }
0x33: {  	p0 =	seq.s32 s10, $0x1;
	s10 =	sld [smem:$0x3FB6];
	_ =	sdelay $0x3  }
0x34: {  	[smem:$0x3FB6] =	sst s10  }
0x35: {  	s10 =	sld [smem:$0x3FB5];
	_ =	sdelay $0x3  }
0x36: {  	p1 =	seq.s32 s10, $0x1;
	s10 =	sld [smem:$0x3FB6];
	_ =	sdelay $0x3  }
0x37: {  	[smem:$0x3FB6] =	sst s10  }
0x38: {  	s10 =	sld [smem:$0x3FB7]  }
0x39: {  	_ = 	snop;
	(pc) =	sbr.ind lr, $3  }
0x3a: {  	_ = 	snop  }
0x3b: {  	_ = 	snop  }
0x3c: {  	p2 =	seq.s32 s10, $0x1;
	s10 =	sld [smem:$0x3FB6]  }
0x3d: {  	_ =	shalt  }
0x3e: {  	_ =	shalt  }
0x3f: {  	_ =	shalt  }
0x40: {  	_ =	shalt  }
0x41: {  	_ =	shalt  }
0x42: {  	_ =	shalt  }
0x43: {  	_ =	shalt  }
0x44: {  	_ =	shalt  }
0x45: {  	_ =	shalt  }
0x46: {  	_ =	shalt  }
0x47: {  	_ =	shalt  }
0x48: {  	_ =	shalt  }
0x49: {  	_ =	shalt  }
0x4a: {  	_ =	shalt  }
0x4b: {  	_ =	shalt  }
0x4c: {  	_ =	shalt  }
0x4d: {  	_ =	shalt  }
0x4e: {  	_ =	shalt  }
0x4f: {  	_ =	shalt  }
0x50: {  	_ =	shalt  }
0x51: {  	_ =	shalt  }
0x52: {  	_ =	shalt  }
0x53: {  	_ =	shalt  }
0x54: {  	_ =	shalt  }
0x55: {  	_ =	shalt  }
0x56: {  	_ =	shalt  }
0x57: {  	_ =	shalt  }
0x58: {  	_ =	shalt  }
0x59: {  	_ =	shalt  }
0x5a: {  	_ =	shalt  }
0x5b: {  	_ =	shalt  }
0x5c: {  	_ =	shalt  }
0x5d: {  	_ =	shalt  }
0x5e: {  	_ =	shalt  }
0x5f: {  	_ =	shalt  }
0x60: {  	_ =	shalt  }
0x61: {  	_ =	shalt  }
0x62: {  	_ =	shalt  }
0x63: {  	_ =	shalt  }
0x64: {  	_ =	shalt  }
0x65: {  	_ =	shalt  }
0x66: {  	_ =	shalt  }
0x67: {  	_ =	shalt  }
0x68: {  	_ =	shalt  }
0x69: {  	_ =	shalt  }
0x6a: {  	_ =	shalt  }
0x6b: {  	_ =	shalt  }
0x6c: {  	_ =	shalt  }
0x6d: {  	_ =	shalt  }
0x6e: {  	_ =	shalt  }
0x6f: {  	_ =	shalt  }
0x70: {  	_ =	shalt  }
0x71: {  	_ =	shalt  }
0x72: {  	_ =	shalt  }
0x73: {  	_ =	shalt  }
0x74: {  	_ =	shalt  }
0x75: {  	_ =	shalt  }
0x76: {  	_ =	shalt  }
0x77: {  	_ =	shalt  }
0x78: {  	_ =	shalt  }
0x79: {  	_ =	shalt  }
0x7a: {  	_ =	shalt  }
0x7b: {  	_ =	shalt  }
0x7c: {  	_ =	shalt  }
0x7d: {  	_ =	shalt  }
0x7e: {  	_ =	shalt  }
0x7f: {  	_ =	shalt  }
0x80: {  	_ =	shalt  }
0x81: {  	_ =	shalt  }
0x82: {  	_ =	shalt  }
0x83: {  	_ =	shalt  }
0x84: {  	_ =	shalt  }
0x85: {  	_ =	shalt  }
0x86: {  	_ =	shalt  }
0x87: {  	_ =	shalt  }
.Lfunc_end0:
.L_simem_size_0:
called_computation_lowered:
.L_overlay_start_0:
0x88: {  	s2 =	sld [smem:$0x3FD9]  }
0x89: {  	s3 =	sld [smem:$0x3FFE];
	_ =	sdelay $0x1  }
0x8a: {  	s1 =	srdreg.scid  }
0x8b: {  	s0 =	sand.u32 $0x1, s1  }
0x8c: {  	s17 =	sshll.u32 s0, $0xA;
	s2 =	sadd.s32 s3, s2  }
0x8d: {  	s2 =	sadd.s32 s2, s17  }
0x8e: {  	[smem:$0x3FC2] =	sst s2  }
0x8f: {  	_ = 	snop  }
0x90: {  	s2 =	sld [smem:$0x3FC9];
	(tm) =	ssettm $0x1  }
0x91: {  	s18 =	sld [smem:$0x3FFB];
	_ =	sdelay $0x3  }
0x92: {  	_ =	strace s18  }
0x93: {  	s3 =	sld [smem:$0x3FFC];
	_ =	sdelay $0x3  }
0x94: {  	_ =	strace s3  }
0x95: {  	s3 =	sld [smem:$0x3FFD];
	_ =	sdelay $0x3  }
0x96: {  	_ =	strace s3  }
0x97: {  	_ =	strace $0x8FFFFFFF  }
0x98: {  	s19 =	sld [smem:$0x3FDB];
	_ =	sdelay $0x1  }
0x99: {  	s4 =	simm.s32 $_scs_section_size  }
0x9a: {  	s5 =	simm.s32 $_size__tile_overlayer_lowered;
	s6 =	simm.s32 $_tile_overlayer_lowered  }
0x9b: {  	s22 =	simm.s32 $0x1BFF;
	s21 =	sshll.u32 s6, $0x1;
	s3 =	sadd.s32 s4, s19  }
0x9c: {  	s7 =	simm.s32 $0x0;
	s20 =	sshll.u32 s5, $0x1;
	s5 =	sadd.s32 s21, s3  }
0x9d: {  	[timem:s7], [sflag:s22] =	dma.local [hbm:s5], s20  }
0x9e: {  	_ =	swait.ge [sflag:s22], s20  }
0x9f: {  	s4 =	ssub.s32 $0x0, s20;
	[sflag:s22] =	ssyncset.done $0x0  }
0xa0: {  	[sflag:s22] =	ssyncadd.s32 s4;
	_ =	sdelay $0x1  }
0xa1: {  	s23 =	simm.s32 $0x1B8B  }
0xa2: {  	_ =	swait.ge [sflag:s23], $0x1  }
0xa3: {  	[sflag:s23] =	ssyncset.done $0x0  }
0xa4: {  	s25 =	simm.s32 $0x1B8E;
	s24 =	sld [smem:$0x3FFE];
	[sflag:s23] =	ssyncadd.s32 $0xFFFFFFFF  }
0xa5: {  	s26 =	simm.s32 $execute0_lowered;
	[smem:$0x3FD2] =	sst s25  }
0xa6: {  	s5 =	sshll.u32 s26, $0x1;
	_ =	strace $0x80000046;
	[dreg:$0x1] =	wrdreg $0xFFFFFFFF  }
0xa7: {  	s28 =	simm.s32 $_size_execute0_lowered;
	s3 =	sadd.s32 s3, s5;
	[dreg:$0x0] =	wrdreg $0x0  }
0xa8: {  	s5 =	sshll.u32 s28, $0x1;
	[dreg:$0x2] =	wrdreg s3  }
0xa9: {  	[dreg:$0x3] =	wrdreg s5  }
0xaa: {  	[dreg:$0x4] =	wrdreg $0xC0  }
0xab: {  	_ =	task [dreg:s7], $0x5FFFF  }
0xac: {  	[dreg:$0x1] =	wrdreg $0xFFFFFFFF  }
0xad: {  	[dreg:$0x0] =	wrdreg $0x60  }
0xae: {  	[dreg:$0x2] =	wrdreg s2  }
0xaf: {  	[dreg:$0x3] =	wrdreg s24  }
0xb0: {  	[dreg:$0x4] =	wrdreg $0x9  }
0xb1: {  	_ =	task.clear_ibuf [dreg:s7], $0x5FFFF;
	_ =	strace $0x90000046  }
0xb2: {  	s29 =	simm.s32 $0x9;
	_ =	strace $0x80000048  }
0xb3: {  	_ =	swait.ge [sflag:s29], $0x1  }
0xb4: {  	[sflag:s29] =	ssyncadd.s32 $0xFFFFFFFF  }
0xb5: {  	_ =	strace $0x90000048  }
0xb6: {  	_ =	sfence  }
0xb7: {  	s30 =	sld [smem:$0x0];
	_ =	sdelay $0x2  }
0xb8: {  	s31 =	sshll.u32 s1, $0xD;
	s1 =	sshrl.u32 s1, $0x2  }
0xb9: {  	s3 =	sand.u32 $0x4000, s31;
	s1 =	sadd.s32 s1, s30  }
0xba: {  	s0 =	sor.u32 s3, s0;
	s1 =	sshll.u32 s1, $0x11  }
0xbb: {  	s0 =	sor.u32 s1, s0  }
0xbc: {  	s0 =	sadd.s32 $0x8F2B, s0  }
0xbd: {  	[sflag:s0] =	ssyncadd.remote.s32 $0x1  }
0xbe: {  	_ =	sfence.sel $0xFFFF  }
0xbf: {  	[dreg:$0x0] =	wrdreg $0xFFFFFFFF;
	(pc) =	sbr.abs _section_cstart, $3  }
0xc0: {  	[dreg:$0x1] =	wrdreg $0xFFFFFFFF  }
0xc1: {  	_ =	task.clear_ibuf [dreg:s7], $0x2FFFF;
	_ =	strace $0x9FFFFFFF  }
0xc2: {  	(tm) =	ssettm $0x7FFFFFFF  }
0xc3: {  	_ =	shalt  }
tec
execute0_lowered:
.L_overlay_start_1:
0x0: {  	(tag) =	ssettag $0x1  }
0x1: {  	s3 =	rddreg [dreg:$0x0]  }
0x2: {  	s4 =	rddreg [dreg:$0x1];
	s5 =	srdreg.scid  }
0x3: {  	s0 =	rddreg [dreg:$0x2];
	s5 =	sand.u32 $0x1, s5  }
0x4: {  	s2 =	simm.s32 $0x0;
	s7 =	sshll.u32 s5, $0x9;
	s5 =	ssub.s32 $0x2, s5  }
0x5: {  	s1 =	stileid.u32;
	s10 =	simm.s32 $0x100;
	s9 =	sshrl.u32 s5, $0x1  }
0x6: {  	s11 =	simm.s32 $0x8200;
	s12 =	simm.s32 $0x180;
	s5 =	ssub.s32 s5, s9  }
0x7: {  	s13 =	simm.s32 $0xC200;
	p0 =	por $0x0, $0x0;
	s15 =	smax.u32 s5, $0x1  }
0x8: {  	[smem:$0x7FF] =	sst s2;
	s6 =	sshll.u32 s1, $0xA;
	p1 =	sne.s32 s15, $0x1  }
.Ltmp0:
0x9: {  	_ =	strace $0x80000047;
	s7 =	sor.u32 s7, s6;
	(pc) =	sbr.rel @!p1 .LBB2_3-.Ltmp0, $4  }
0xa: {  	s6 =	sadd.s32 $0x1000, s4;
	s8 =	sshll.u32 s7, $0x4;
	s7 =	sshrl.u32 s7, $0x3  }
0xb: {  	s9 =	simm.s32 $0x4200;
	s4 =	sadd.s32 s8, s4;
	s14 =	sadd.s32 s3, s7  }
0xc: {  	s3 =	simm.s32 $0x2;
	s8 =	simm.s32 $0x80;
	s5 =	simm.s32 $0x200  }
0xd: {  	s7 =	simm.s32 $0x1;
	s4 =	sadd.s32 $0x7C1000, s4;
	s15 =	sadd.s32 $0xFFFFFFFF, s15  }
0xe: {  	[tilespmem:s2], [sflag:$0x2] =	stream.linear.gather [hbm4b:s14+s2], $0x200, $0x38;
	[tilespmem:$0x10200] =	vst v63  }
0xf: {  	_ =	swait.ge [sflag:s3], $0x200  }
0x10: {  	[sflag:s3] =	ssyncset.done $0x0  }
0x11: {  	[sflag:s3] =	ssyncadd.s32 $0xFFFFFE00  }
0x12: {  	v0 =	vld [tilespmem:$0x190]  }
0x13: {  	v1 =	vld [tilespmem:$0x1A0]  }
0x14: {  	v2 =	vld [tilespmem:$0x140]  }
0x15: {  	v3 =	vld [tilespmem:$0x1E0]  }
0x16: {  	v4 =	vld [tilespmem:$0x1D0]  }
0x17: {  	v7 =	vld [tilespmem:$0x1F0]  }
0x18: {  	v8 =	vld [tilespmem:$0x80]  }
0x19: {  	v31 =	vld [tilespmem:$0x1B0]  }
0x1a: {  	v11 =	vld [tilespmem:$0x30]  }
0x1b: {  	v33 =	vld [tilespmem:$0x70]  }
0x1c: {  	v34 =	vld [tilespmem:$0x20]  }
0x1d: {  	v15 =	vld [tilespmem:$0x60]  }
0x1e: {  	v35 =	vld [tilespmem:$0x10]  }
0x1f: {  	v17 =	vld [tilespmem:$0xB0]  }
0x20: {  	v38 =	vld [tilespmem:$0x0];
	v5 =	vshra.s32 v0, $0x1  }
0x21: {  	v39 =	vld [tilespmem:$0x40];
	v0 =	vand.u32 $0x1FFF, v0;
	v6 =	vshra.s32 v1, $0x1;
	v9 =	vand.u32 $0x1FFF, v2  }
0x22: {  	v42 =	vld [tilespmem:$0x50];
	v2 =	vshra.s32 v2, $0x1;
	v1 =	vand.u32 $0x1FFF, v1;
	v10 =	vand.u32 $0x1FFF, v3  }
0x23: {  	v47 =	vld [tilespmem:$0xC0];
	v32 =	vshra.s32 v4, $0x1;
	v3 =	vshra.s32 v3, $0x1;
	v4 =	vand.u32 $0x1FFF, v4  }
0x24: {  	v49 =	vld [tilespmem:$0xA0];
	v12 =	vshra.s32 v7, $0x1;
	v7 =	vand.u32 $0x1FFF, v7;
	v13 =	vshra.s32 v8, $0x1  }
0x25: {  	v52 =	vld [tilespmem:$0x90];
	v8 =	vand.u32 $0x1FFF, v8;
	v14 =	vand.u32 $0x1FFF, v31;
	v16 =	vshra.s32 v11, $0x1  }
0x26: {  	v54 =	vld [tilespmem:$0x110];
	v37 =	vshra.s32 v33, $0x1;
	v11 =	vand.u32 $0x1FFF, v11;
	v40 =	vshra.s32 v34, $0x1  }
0x27: {  	v41 =	vand.u32 $0x1FFF, v15;
	v43 =	vshra.s32 v35, $0x1;
	v15 =	vshra.s32 v15, $0x1  }
0x28: {  	v44 =	vand.u32 $0x1FFF, v35;
	v46 =	vand.u32 $0x1FFF, v17;
	v50 =	vshra.s32 v17, $0x1  }
0x29: {  	v18 =	vld [tilespmem:$0xF0];
	v51 =	vshra.s32 v38, $0x1;
	v53 =	vshra.s32 v39, $0x1;
	v55 =	vshra.s32 v42, $0x1  }
0x2a: {  	v60 =	vld [tilespmem:$0xD0];
	v58 =	vand.u32 $0x1FFF, v47;
	v59 =	vshra.s32 v49, $0x1;
	v61 =	vshra.s32 v52, $0x1  }
0x2b: {  	v56 =	vld [tilespmem:$0x100];
	v62 =	vand.u32 $0x1FFF, v54;
	v19 =	vand.u32 $0x1FFF, v49;
	v30 =	vand.u32 $0xFFFFE000, v6  }
0x2c: {  	v20 =	vshra.s32 v54, $0x1;
	v2 =	vand.u32 $0xFFFFE000, v2;
	v1 =	vor.u32 v1, v30  }
0x2d: {  	v22 =	vshra.s32 v47, $0x1;
	v5 =	vand.u32 $0xFFFFE000, v5;
	v2 =	vor.u32 v9, v2;
	[tilespmem:$0x1A0] =	vst v1  }
0x2e: {  	v23 =	vshra.s32 v18, $0x1;
	v13 =	vand.u32 $0xFFFFE000, v13;
	v0 =	vor.u32 v0, v5;
	[tilespmem:$0x140] =	vst v2  }
0x2f: {  	v25 =	vshra.s32 v60, $0x1;
	v3 =	vand.u32 $0xFFFFE000, v3;
	v8 =	vor.u32 v8, v13;
	[tilespmem:$0x190] =	vst v0  }
0x30: {  	v27 =	vand.u32 $0x1FFF, v56;
	v12 =	vand.u32 $0xFFFFE000, v12;
	v3 =	vor.u32 v10, v3;
	[tilespmem:$0x80] =	vst v8  }
0x31: {  	v6 =	vshra.s32 v31, $0x1;
	v36 =	vand.u32 $0xFFFFE000, v16;
	v7 =	vor.u32 v7, v12;
	[tilespmem:$0x1E0] =	vst v3  }
0x32: {  	v16 =	vand.u32 $0xFFFFE000, v37;
	v45 =	vand.u32 $0xFFFFE000, v15;
	v10 =	vor.u32 v11, v36;
	[tilespmem:$0x1F0] =	vst v7  }
0x33: {  	v48 =	vand.u32 $0xFFFFE000, v43;
	v35 =	vand.u32 $0xFFFFE000, v20;
	v12 =	vor.u32 v41, v45;
	[tilespmem:$0x30] =	vst v10  }
0x34: {  	v63 =	vld [tilespmem:$0x180];
	v57 =	vand.u32 $0xFFFFE000, v55;
	v5 =	vand.u32 $0xFFFFE000, v32;
	v37 =	vor.u32 v62, v35;
	[tilespmem:$0x60] =	vst v12  }
0x35: {  	v26 =	vld [tilespmem:$0xE0];
	v29 =	vand.u32 $0xFFFFE000, v23;
	v6 =	vand.u32 $0xFFFFE000, v6;
	v4 =	vor.u32 v4, v5;
	[tilespmem:$0x110] =	vst v37  }
0x36: {  	v31 =	vand.u32 $0x1FFF, v18;
	v9 =	vand.u32 $0x1FFF, v33;
	v6 =	vor.u32 v14, v6;
	[tilespmem:$0x1D0] =	vst v4  }
0x37: {  	v11 =	vand.u32 $0xFFFFE000, v40;
	v9 =	vor.u32 v9, v16;
	v5 =	vand.u32 $0x1FFF, v34;
	[tilespmem:$0x1B0] =	vst v6  }
0x38: {  	v30 =	vand.u32 $0x1FFF, v60;
	v14 =	vand.u32 $0xFFFFE000, v50;
	v5 =	vor.u32 v5, v11;
	[tilespmem:$0x70] =	vst v9  }
0x39: {  	v21 =	vld [tilespmem:$0x170];
	v32 =	vand.u32 $0x1FFF, v63;
	v40 =	vand.u32 $0xFFFFE000, v22;
	v14 =	vor.u32 v46, v14;
	[tilespmem:$0x20] =	vst v5  }
0x3a: {  	v41 =	vshra.s32 v26, $0x1;
	v0 =	vand.u32 $0x1FFF, v42;
	v4 =	vor.u32 v44, v48;
	[tilespmem:$0xB0] =	vst v14  }
0x3b: {  	v2 =	vand.u32 $0x1FFF, v39;
	v7 =	vand.u32 $0xFFFFE000, v53;
	v0 =	vor.u32 v0, v57;
	[tilespmem:$0x10] =	vst v4  }
0x3c: {  	v3 =	vand.u32 $0xFFFFE000, v51;
	v1 =	vand.u32 $0x1FFF, v38;
	v2 =	vor.u32 v2, v7;
	[tilespmem:$0x50] =	vst v0  }
0x3d: {  	v34 =	vshra.s32 v56, $0x1;
	v38 =	vshra.s32 v63, $0x1;
	v24 =	vor.u32 v1, v3;
	[tilespmem:$0x40] =	vst v2  }
0x3e: {  	v43 =	vld [tilespmem:$0x130];
	v42 =	vshra.s32 v21, $0x1;
	v6 =	vand.u32 $0xFFFFE000, v59;
	v9 =	vor.u32 v58, v40;
	[tilespmem:$0x0] =	vst v24  }
0x3f: {  	v33 =	vld [tilespmem:$0x120];
	v11 =	vand.u32 $0x1FFF, v52;
	v36 =	vand.u32 $0xFFFFE000, v34;
	v6 =	vor.u32 v19, v6;
	[tilespmem:$0xC0] =	vst v9  }
0x40: {  	v45 =	vld [tilespmem:$0x160];
	v1 =	vand.u32 $0xFFFFE000, v25;
	v44 =	vand.u32 $0xFFFFE000, v41;
	v2 =	vor.u32 v27, v36;
	[tilespmem:$0xA0] =	vst v6  }
0x41: {  	v3 =	vand.u32 $0x1FFF, v26;
	v47 =	vand.u32 $0xFFFFE000, v38;
	v0 =	vor.u32 v30, v1;
	[tilespmem:$0x100] =	vst v2  }
0x42: {  	v39 =	vld [tilespmem:$0x150];
	v5 =	vand.u32 $0xFFFFE000, v61;
	v4 =	vand.u32 $0x1FFF, v21;
	v3 =	vor.u32 v3, v44;
	[tilespmem:$0xD0] =	vst v0  }
0x43: {  	v28 =	vor.u32 v11, v5;
	v5 =	vor.u32 v31, v29;
	v6 =	vand.u32 $0xFFFFE000, v42;
	[tilespmem:$0xE0] =	vst v3  }
0x44: {  	v48 =	vld [tilespmem:$0x1C0];
	v55 =	vshra.s32 v43, $0x1;
	v62 =	vand.u32 $0x1FFF, v43;
	[tilespmem:$0x90] =	vst v28;
	v4 =	vor.u32 v4, v6  }
0x45: {  	[tilespmem:$0xF0] =	vst v5;
	v46 =	vand.u32 $0x1FFF, v33;
	v49 =	vshra.s32 v33, $0x1;
	v57 =	vshra.s32 v45, $0x1  }
0x46: {  	v58 =	vand.u32 $0x1FFF, v45;
	v1 =	vand.u32 $0xFFFFE000, v55;
	[tilespmem:$0x170] =	vst v4;
	v4 =	vor.u32 v32, v47  }
0x47: {  	v50 =	vshra.s32 v39, $0x1;
	v53 =	vand.u32 $0xFFFFE000, v49;
	v1 =	vor.u32 v62, v1;
	[tilespmem:$0x180] =	vst v4  }
0x48: {  	v52 =	vand.u32 $0x1FFF, v39;
	v0 =	vand.u32 $0xFFFFE000, v57;
	v56 =	vor.u32 v46, v53;
	[tilespmem:$0x130] =	vst v1  }
0x49: {  	v51 =	vand.u32 $0xFFFFE000, v50;
	v59 =	vshra.s32 v48, $0x1;
	v0 =	vor.u32 v58, v0;
	[tilespmem:$0x120] =	vst v56  }
0x4a: {  	v61 =	vand.u32 $0x1FFF, v48;
	v54 =	vor.u32 v52, v51;
	v60 =	vand.u32 $0xFFFFE000, v59;
	[tilespmem:$0x160] =	vst v0  }
0x4b: {  	[tilespmem:$0x150] =	vst v54;
	v63 =	vor.u32 v61, v60  }
0x4c: {  	[tilespmem:$0x1C0] =	vst v63  }
0x4d: {  	[tilespmem:s5], [sflag:$0x1] =	stream.indirect.gather [hbm4b:s6+s8], $0x80, s2, s8, $0xb8;
	[tilespmem:$0x10200] =	vst v63  }
0x4e: {  	_ = 	snop  }
0x4f: {  	[tilespmem:s9], [sflag:$0x1] =	stream.indirect.gather [hbm4b:s6+s8], $0x80, s8, s8, $0xb8;
	[tilespmem:$0x10200] =	vst v63  }
0x50: {  	_ = 	snop  }
0x51: {  	[tilespmem:s11], [sflag:$0x1] =	stream.indirect.gather [hbm4b:s6+s8], $0x80, s10, s8, $0xb8;
	[tilespmem:$0x10200] =	vst v63  }
0x52: {  	_ = 	snop  }
0x53: {  	[tilespmem:s13], [sflag:$0x1] =	stream.indirect.gather [hbm4b:s6+s8], $0x80, s12, s8, $0xb8;
	[tilespmem:$0x10200] =	vst v63  }
0x54: {  	_ =	swait.ge [sflag:s7], $0x4000  }
0x55: {  	[sflag:s7] =	ssyncset.done $0x0  }
0x56: {  	[sflag:s7] =	ssyncadd.s32 $0xFFFFC000  }
0x57: {  	_ =	swait.ge [sflag:s7], $0x4000  }
0x58: {  	[sflag:s7] =	ssyncset.done $0x0  }
0x59: {  	[sflag:s7] =	ssyncadd.s32 $0xFFFFC000  }
0x5a: {  	_ =	swait.ge [sflag:s7], $0x4000  }
0x5b: {  	[sflag:s7] =	ssyncset.done $0x0  }
0x5c: {  	p1 =	sne.s32 s15, $0x1;
	[sflag:s7] =	ssyncadd.s32 $0xFFFFC000  }
.Ltmp1:
0x5d: {  	_ =	swait.ge [sflag:s7], $0x4000;
	(pc) =	sbr.rel @!p1 .LBB2_3-.Ltmp1, $4  }
0x5e: {  	[sflag:s7] =	ssyncset.done $0x0  }
0x5f: {  	[sflag:s7] =	ssyncadd.s32 $0xFFFFC000  }
0x60: {  	[hbm4b:s4+s2] =	stream.linear.scatter [tilespmem:s5], [sflag:$0x2], $0x10000, $0x38;
	[tilespmem:$0x10200] =	vst v63  }
0x61: {  	s15 =	sadd.s32 $0xFFFFFFFF, s15;
	p0 =	por $0x1, $0x1;
	_ =	swait.ge [sflag:s3], $0x10000  }
.LBB2_2:
0x62: {  	p1 =	sne.s32 s15, $0x1;
	s15 =	sadd.s32 $0xFFFFFFFF, s15;
	[sflag:s3] =	ssyncset.done $0x0  }
0x63: {  	[sflag:s3] =	ssyncadd.s32 $0xFFFF0000  }
0x64: {  	[tilespmem:s2], [sflag:$0x2] =	stream.linear.gather [hbm4b:s14+s2], $0x200, $0x38;
	[tilespmem:$0x10200] =	vst v63  }
0x65: {  	_ =	swait.ge [sflag:s3], $0x200  }
0x66: {  	[sflag:s3] =	ssyncset.done $0x0  }
0x67: {  	[sflag:s3] =	ssyncadd.s32 $0xFFFFFE00  }
0x68: {  	v0 =	vld [tilespmem:$0x190]  }
0x69: {  	v1 =	vld [tilespmem:$0x1A0]  }
0x6a: {  	v2 =	vld [tilespmem:$0x140]  }
0x6b: {  	v3 =	vld [tilespmem:$0x1E0]  }
0x6c: {  	v4 =	vld [tilespmem:$0x1D0]  }
0x6d: {  	v5 =	vshra.s32 v0, $0x1  }
0x6e: {  	v0 =	vand.u32 $0x1FFF, v0;
	v5 =	vand.u32 $0xFFFFE000, v5;
	v6 =	vshra.s32 v1, $0x1;
	v7 =	vld [tilespmem:$0x1F0]  }
0x6f: {  	v8 =	vld [tilespmem:$0x80];
	v9 =	vand.u32 $0x1FFF, v2;
	v0 =	vor.u32 v0, v5;
	v5 =	vand.u32 $0xFFFFE000, v6  }
0x70: {  	v1 =	vand.u32 $0x1FFF, v1;
	v2 =	vshra.s32 v2, $0x1;
	v6 =	vld [tilespmem:$0x1B0];
	v10 =	vand.u32 $0x1FFF, v3  }
0x71: {  	v2 =	vand.u32 $0xFFFFE000, v2;
	v1 =	vor.u32 v1, v5;
	v11 =	vld [tilespmem:$0x30];
	v5 =	vshra.s32 v4, $0x1  }
0x72: {  	v3 =	vshra.s32 v3, $0x1;
	v2 =	vor.u32 v9, v2;
	v12 =	vld [tilespmem:$0x70];
	[tilespmem:$0x1A0] =	vst v1;
	v1 =	vand.u32 $0xFFFFE000, v5  }
0x73: {  	[tilespmem:$0x140] =	vst v2;
	v2 =	vand.u32 $0x1FFF, v4;
	v4 =	vshra.s32 v7, $0x1;
	v5 =	vand.u32 $0x1FFF, v7  }
0x74: {  	v7 =	vld [tilespmem:$0x20];
	v9 =	vshra.s32 v8, $0x1;
	v1 =	vor.u32 v2, v1;
	v2 =	vand.u32 $0xFFFFE000, v3  }
0x75: {  	v8 =	vand.u32 $0x1FFF, v8;
	v3 =	vand.u32 $0xFFFFE000, v9;
	[tilespmem:$0x190] =	vst v0;
	v0 =	vand.u32 $0x1FFF, v6  }
0x76: {  	v6 =	vshra.s32 v6, $0x1;
	v9 =	vld [tilespmem:$0x60];
	v3 =	vor.u32 v8, v3;
	[tilespmem:$0x1D0] =	vst v1;
	v1 =	vand.u32 $0xFFFFE000, v4  }
0x77: {  	v2 =	vor.u32 v10, v2;
	v8 =	vshra.s32 v11, $0x1;
	v4 =	vld [tilespmem:$0x10];
	[tilespmem:$0x80] =	vst v3;
	v3 =	vand.u32 $0xFFFFE000, v6  }
0x78: {  	v6 =	vand.u32 $0xFFFFE000, v8;
	v8 =	vshra.s32 v12, $0x1;
	v10 =	vand.u32 $0x1FFF, v12;
	v12 =	vld [tilespmem:$0xB0];
	[tilespmem:$0x1E0] =	vst v2  }
0x79: {  	v11 =	vand.u32 $0x1FFF, v11;
	v1 =	vor.u32 v5, v1;
	v8 =	vand.u32 $0xFFFFE000, v8;
	v2 =	vld [tilespmem:$0x0]  }
0x7a: {  	v5 =	vor.u32 v11, v6;
	v0 =	vor.u32 v0, v3;
	v8 =	vor.u32 v10, v8;
	v6 =	vld [tilespmem:$0x40]  }
0x7b: {  	v3 =	vshra.s32 v7, $0x1;
	v7 =	vand.u32 $0x1FFF, v7;
	v10 =	vld [tilespmem:$0x50];
	v11 =	vand.u32 $0x1FFF, v9;
	[tilespmem:$0x1F0] =	vst v1  }
0x7c: {  	v3 =	vand.u32 $0xFFFFE000, v3;
	v1 =	vshra.s32 v4, $0x1;
	[tilespmem:$0x30] =	vst v5;
	v5 =	vshra.s32 v9, $0x1  }
0x7d: {  	v4 =	vand.u32 $0x1FFF, v4;
	v5 =	vand.u32 $0xFFFFE000, v5;
	v9 =	vand.u32 $0x1FFF, v12;
	v13 =	vld [tilespmem:$0xC0];
	[tilespmem:$0x1B0] =	vst v0  }
0x7e: {  	v0 =	vand.u32 $0xFFFFE000, v1;
	v1 =	vor.u32 v11, v5;
	[tilespmem:$0x70] =	vst v8;
	v5 =	vld [tilespmem:$0xA0];
	v8 =	vshra.s32 v12, $0x1  }
0x7f: {  	v3 =	vor.u32 v7, v3;
	v11 =	vshra.s32 v2, $0x1;
	v7 =	vld [tilespmem:$0x90];
	v8 =	vand.u32 $0xFFFFE000, v8  }
0x80: {  	v11 =	vand.u32 $0xFFFFE000, v11;
	[tilespmem:$0x20] =	vst v3;
	v3 =	vshra.s32 v6, $0x1;
	v8 =	vor.u32 v9, v8;
	v9 =	vld [tilespmem:$0x110]  }
0x81: {  	v2 =	vand.u32 $0x1FFF, v2;
	v12 =	vshra.s32 v10, $0x1;
	v10 =	vand.u32 $0x1FFF, v10;
	[tilespmem:$0x60] =	vst v1;
	v1 =	vld [tilespmem:$0x100]  }
0x82: {  	v6 =	vand.u32 $0x1FFF, v6;
	v12 =	vand.u32 $0xFFFFE000, v12;
	v14 =	vand.u32 $0x1FFF, v13;
	v15 =	vld [tilespmem:$0xF0]  }
0x83: {  	v3 =	vand.u32 $0xFFFFE000, v3;
	v10 =	vor.u32 v10, v12;
	v12 =	vshra.s32 v5, $0x1;
	v16 =	vld [tilespmem:$0xD0]  }
0x84: {  	v0 =	vor.u32 v4, v0;
	v3 =	vor.u32 v6, v3;
	v4 =	vshra.s32 v7, $0x1;
	[tilespmem:$0xB0] =	vst v8  }
0x85: {  	[tilespmem:$0x10] =	vst v0;
	v0 =	vand.u32 $0xFFFFE000, v4;
	v4 =	vand.u32 $0xFFFFE000, v12;
	v6 =	vand.u32 $0x1FFF, v9;
	v8 =	vld [tilespmem:$0x180]  }
0x86: {  	v5 =	vand.u32 $0x1FFF, v5;
	v7 =	vand.u32 $0x1FFF, v7;
	v9 =	vshra.s32 v9, $0x1;
	[tilespmem:$0x50] =	vst v10;
	v10 =	vld [tilespmem:$0x170]  }
0x87: {  	v4 =	vor.u32 v5, v4;
	v5 =	vshra.s32 v13, $0x1;
	v12 =	vshra.s32 v15, $0x1;
	v13 =	vld [tilespmem:$0x120]  }
0x88: {  	v2 =	vor.u32 v2, v11;
	v17 =	vand.u32 $0x1FFF, v1;
	[tilespmem:$0x40] =	vst v3;
	v3 =	vshra.s32 v16, $0x1;
	v11 =	vld [tilespmem:$0xE0]  }
0x89: {  	v0 =	vor.u32 v7, v0;
	[tilespmem:$0x0] =	vst v2;
	v2 =	vand.u32 $0xFFFFE000, v3;
	v3 =	vand.u32 $0xFFFFE000, v12  }
0x8a: {  	v7 =	vand.u32 $0x1FFF, v15;
	[tilespmem:$0xA0] =	vst v4;
	v4 =	vand.u32 $0x1FFF, v16;
	v12 =	vand.u32 $0x1FFF, v8  }
0x8b: {  	v1 =	vshra.s32 v1, $0x1;
	v3 =	vor.u32 v7, v3;
	v7 =	vand.u32 $0xFFFFE000, v9  }
0x8c: {  	[tilespmem:$0x90] =	vst v0;
	v0 =	vand.u32 $0xFFFFE000, v1;
	v1 =	vor.u32 v6, v7;
	v6 =	vshra.s32 v8, $0x1  }
0x8d: {  	v5 =	vand.u32 $0xFFFFE000, v5;
	v8 =	vand.u32 $0x1FFF, v10;
	v7 =	vshra.s32 v11, $0x1;
	[tilespmem:$0x110] =	vst v1;
	v1 =	vld [tilespmem:$0x150]  }
0x8e: {  	v5 =	vor.u32 v14, v5;
	v9 =	vshra.s32 v10, $0x1;
	v7 =	vand.u32 $0xFFFFE000, v7;
	[tilespmem:$0xF0] =	vst v3;
	v3 =	vld [tilespmem:$0x130]  }
0x8f: {  	v10 =	vand.u32 $0x1FFF, v13;
	v9 =	vand.u32 $0xFFFFE000, v9;
	[tilespmem:$0xC0] =	vst v5;
	v5 =	vand.u32 $0x1FFF, v11  }
0x90: {  	v8 =	vor.u32 v8, v9;
	v5 =	vor.u32 v5, v7;
	v7 =	vshra.s32 v13, $0x1;
	v11 =	vld [tilespmem:$0x160]  }
0x91: {  	v0 =	vor.u32 v17, v0;
	v6 =	vand.u32 $0xFFFFE000, v6;
	v7 =	vand.u32 $0xFFFFE000, v7;
	[tilespmem:$0x170] =	vst v8;
	v8 =	vld [tilespmem:$0x1C0]  }
0x92: {  	v2 =	vor.u32 v4, v2;
	v4 =	vor.u32 v12, v6;
	[tilespmem:$0x100] =	vst v0;
	v0 =	vshra.s32 v1, $0x1  }
0x93: {  	v1 =	vand.u32 $0x1FFF, v1;
	v6 =	vshra.s32 v3, $0x1;
	v0 =	vand.u32 $0xFFFFE000, v0;
	[tilespmem:$0x180] =	vst v4  }
0x94: {  	v3 =	vand.u32 $0x1FFF, v3;
	[tilespmem:$0xD0] =	vst v2;
	v2 =	vand.u32 $0xFFFFE000, v6;
	v0 =	vor.u32 v1, v0  }
0x95: {  	v1 =	vor.u32 v10, v7;
	v2 =	vor.u32 v3, v2;
	[tilespmem:$0x150] =	vst v0;
	v0 =	vshra.s32 v11, $0x1  }
0x96: {  	[tilespmem:$0x120] =	vst v1;
	v0 =	vand.u32 $0xFFFFE000, v0;
	v1 =	vand.u32 $0x1FFF, v11;
	v3 =	vshra.s32 v8, $0x1  }
0x97: {  	[tilespmem:$0xE0] =	vst v5;
	v0 =	vor.u32 v1, v0;
	v1 =	vand.u32 $0xFFFFE000, v3;
	v3 =	vand.u32 $0x1FFF, v8  }
0x98: {  	[tilespmem:$0x160] =	vst v0;
	v0 =	vor.u32 v3, v1  }
0x99: {  	[tilespmem:$0x1C0] =	vst v0  }
0x9a: {  	[tilespmem:$0x130] =	vst v2  }
0x9b: {  	[tilespmem:s5], [sflag:$0x1] =	stream.indirect.gather [hbm4b:s6+s8], $0x80, s2, s8, $0xb8;
	[tilespmem:$0x10200] =	vst v63  }
0x9c: {  	_ = 	snop  }
0x9d: {  	[tilespmem:s9], [sflag:$0x1] =	stream.indirect.gather [hbm4b:s6+s8], $0x80, s8, s8, $0xb8;
	[tilespmem:$0x10200] =	vst v63  }
0x9e: {  	_ = 	snop  }
0x9f: {  	[tilespmem:s11], [sflag:$0x1] =	stream.indirect.gather [hbm4b:s6+s8], $0x80, s10, s8, $0xb8;
	[tilespmem:$0x10200] =	vst v63  }
0xa0: {  	_ = 	snop  }
0xa1: {  	[tilespmem:s13], [sflag:$0x1] =	stream.indirect.gather [hbm4b:s6+s8], $0x80, s12, s8, $0xb8;
	[tilespmem:$0x10200] =	vst v63  }
0xa2: {  	_ =	swait.ge [sflag:s7], $0x4000  }
0xa3: {  	[sflag:s7] =	ssyncset.done $0x0  }
0xa4: {  	[sflag:s7] =	ssyncadd.s32 $0xFFFFC000  }
0xa5: {  	_ =	swait.ge [sflag:s7], $0x4000  }
0xa6: {  	[sflag:s7] =	ssyncset.done $0x0  }
0xa7: {  	[sflag:s7] =	ssyncadd.s32 $0xFFFFC000  }
0xa8: {  	_ =	swait.ge [sflag:s7], $0x4000  }
0xa9: {  	[sflag:s7] =	ssyncset.done $0x0  }
0xaa: {  	[sflag:s7] =	ssyncadd.s32 $0xFFFFC000  }
.Ltmp2:
0xab: {  	_ =	swait.ge [sflag:s7], $0x4000;
	(pc) =	sbr.rel @p1 .LBB2_2-.Ltmp2, $4  }
0xac: {  	[sflag:s7] =	ssyncset.done $0x0  }
0xad: {  	[sflag:s7] =	ssyncadd.s32 $0xFFFFC000  }
0xae: {  	[hbm4b:s4+s2] =	stream.linear.scatter [tilespmem:s5], [sflag:$0x2], $0x10000, $0x38;
	[tilespmem:$0x10200] =	vst v63  }
0xaf: {  	_ =	swait.ge [sflag:s3], $0x10000  }
.LBB2_3:
0xb0: {  	[sflag:s3] =	ssyncset.done @p0 $0x0  }
0xb1: {  	[sflag:s3] =	ssyncadd.s32 @p0 $0xFFFF0000  }
0xb2: {  	[tilespmem:s2], [sflag:$0x2] =	stream.linear.gather [hbm4b:s14+s2], $0x200, $0x38;
	[tilespmem:$0x10200] =	vst v63  }
0xb3: {  	_ =	swait.ge [sflag:s3], $0x200  }
0xb4: {  	[sflag:s3] =	ssyncset.done $0x0  }
0xb5: {  	[sflag:s3] =	ssyncadd.s32 $0xFFFFFE00  }
0xb6: {  	v0 =	vld [tilespmem:$0x190]  }
0xb7: {  	v1 =	vld [tilespmem:$0x1A0]  }
0xb8: {  	v2 =	vld [tilespmem:$0x140]  }
0xb9: {  	v3 =	vld [tilespmem:$0x1E0]  }
0xba: {  	v4 =	vld [tilespmem:$0x1D0]  }
0xbb: {  	v7 =	vld [tilespmem:$0x1F0]  }
0xbc: {  	v8 =	vld [tilespmem:$0x80]  }
0xbd: {  	v31 =	vld [tilespmem:$0x1B0]  }
0xbe: {  	v11 =	vld [tilespmem:$0x30]  }
0xbf: {  	v33 =	vld [tilespmem:$0x70]  }
0xc0: {  	v34 =	vld [tilespmem:$0x20]  }
0xc1: {  	v15 =	vld [tilespmem:$0x60]  }
0xc2: {  	v35 =	vld [tilespmem:$0x10]  }
0xc3: {  	v17 =	vld [tilespmem:$0xB0]  }
0xc4: {  	v38 =	vld [tilespmem:$0x0];
	v5 =	vshra.s32 v0, $0x1  }
0xc5: {  	v39 =	vld [tilespmem:$0x40];
	v0 =	vand.u32 $0x1FFF, v0;
	v6 =	vshra.s32 v1, $0x1;
	v9 =	vand.u32 $0x1FFF, v2  }
0xc6: {  	v42 =	vld [tilespmem:$0x50];
	v2 =	vshra.s32 v2, $0x1;
	v1 =	vand.u32 $0x1FFF, v1;
	v10 =	vand.u32 $0x1FFF, v3  }
0xc7: {  	v47 =	vld [tilespmem:$0xC0];
	v32 =	vshra.s32 v4, $0x1;
	v3 =	vshra.s32 v3, $0x1;
	v4 =	vand.u32 $0x1FFF, v4  }
0xc8: {  	v49 =	vld [tilespmem:$0xA0];
	v12 =	vshra.s32 v7, $0x1;
	v7 =	vand.u32 $0x1FFF, v7;
	v13 =	vshra.s32 v8, $0x1  }
0xc9: {  	v52 =	vld [tilespmem:$0x90];
	v8 =	vand.u32 $0x1FFF, v8;
	v14 =	vand.u32 $0x1FFF, v31;
	v16 =	vshra.s32 v11, $0x1  }
0xca: {  	v54 =	vld [tilespmem:$0x110];
	v37 =	vshra.s32 v33, $0x1;
	v11 =	vand.u32 $0x1FFF, v11;
	v40 =	vshra.s32 v34, $0x1  }
0xcb: {  	v41 =	vand.u32 $0x1FFF, v15;
	v43 =	vshra.s32 v35, $0x1;
	v15 =	vshra.s32 v15, $0x1  }
0xcc: {  	v44 =	vand.u32 $0x1FFF, v35;
	v46 =	vand.u32 $0x1FFF, v17;
	v50 =	vshra.s32 v17, $0x1  }
0xcd: {  	v18 =	vld [tilespmem:$0xF0];
	v51 =	vshra.s32 v38, $0x1;
	v53 =	vshra.s32 v39, $0x1;
	v55 =	vshra.s32 v42, $0x1  }
0xce: {  	v60 =	vld [tilespmem:$0xD0];
	v58 =	vand.u32 $0x1FFF, v47;
	v59 =	vshra.s32 v49, $0x1;
	v61 =	vshra.s32 v52, $0x1  }
0xcf: {  	v56 =	vld [tilespmem:$0x100];
	v62 =	vand.u32 $0x1FFF, v54;
	v19 =	vand.u32 $0x1FFF, v49;
	v30 =	vand.u32 $0xFFFFE000, v6  }
0xd0: {  	v20 =	vshra.s32 v54, $0x1;
	v2 =	vand.u32 $0xFFFFE000, v2;
	v1 =	vor.u32 v1, v30  }
0xd1: {  	v22 =	vshra.s32 v47, $0x1;
	v5 =	vand.u32 $0xFFFFE000, v5;
	v2 =	vor.u32 v9, v2;
	[tilespmem:$0x1A0] =	vst v1  }
0xd2: {  	v23 =	vshra.s32 v18, $0x1;
	v13 =	vand.u32 $0xFFFFE000, v13;
	v0 =	vor.u32 v0, v5;
	[tilespmem:$0x140] =	vst v2  }
0xd3: {  	v25 =	vshra.s32 v60, $0x1;
	v3 =	vand.u32 $0xFFFFE000, v3;
	v8 =	vor.u32 v8, v13;
	[tilespmem:$0x190] =	vst v0  }
0xd4: {  	v27 =	vand.u32 $0x1FFF, v56;
	v12 =	vand.u32 $0xFFFFE000, v12;
	v3 =	vor.u32 v10, v3;
	[tilespmem:$0x80] =	vst v8  }
0xd5: {  	v6 =	vshra.s32 v31, $0x1;
	v36 =	vand.u32 $0xFFFFE000, v16;
	v7 =	vor.u32 v7, v12;
	[tilespmem:$0x1E0] =	vst v3  }
0xd6: {  	v16 =	vand.u32 $0xFFFFE000, v37;
	v45 =	vand.u32 $0xFFFFE000, v15;
	v10 =	vor.u32 v11, v36;
	[tilespmem:$0x1F0] =	vst v7  }
0xd7: {  	v48 =	vand.u32 $0xFFFFE000, v43;
	v35 =	vand.u32 $0xFFFFE000, v20;
	v12 =	vor.u32 v41, v45;
	[tilespmem:$0x30] =	vst v10  }
0xd8: {  	v63 =	vld [tilespmem:$0x180];
	v57 =	vand.u32 $0xFFFFE000, v55;
	v5 =	vand.u32 $0xFFFFE000, v32;
	v37 =	vor.u32 v62, v35;
	[tilespmem:$0x60] =	vst v12  }
0xd9: {  	v26 =	vld [tilespmem:$0xE0];
	v29 =	vand.u32 $0xFFFFE000, v23;
	v6 =	vand.u32 $0xFFFFE000, v6;
	v4 =	vor.u32 v4, v5;
	[tilespmem:$0x110] =	vst v37  }
0xda: {  	v31 =	vand.u32 $0x1FFF, v18;
	v9 =	vand.u32 $0x1FFF, v33;
	v6 =	vor.u32 v14, v6;
	[tilespmem:$0x1D0] =	vst v4  }
0xdb: {  	v11 =	vand.u32 $0xFFFFE000, v40;
	v9 =	vor.u32 v9, v16;
	v5 =	vand.u32 $0x1FFF, v34;
	[tilespmem:$0x1B0] =	vst v6  }
0xdc: {  	v30 =	vand.u32 $0x1FFF, v60;
	v14 =	vand.u32 $0xFFFFE000, v50;
	v5 =	vor.u32 v5, v11;
	[tilespmem:$0x70] =	vst v9  }
0xdd: {  	v21 =	vld [tilespmem:$0x170];
	v32 =	vand.u32 $0x1FFF, v63;
	v40 =	vand.u32 $0xFFFFE000, v22;
	v14 =	vor.u32 v46, v14;
	[tilespmem:$0x20] =	vst v5  }
0xde: {  	v41 =	vshra.s32 v26, $0x1;
	v0 =	vand.u32 $0x1FFF, v42;
	v4 =	vor.u32 v44, v48;
	[tilespmem:$0xB0] =	vst v14  }
0xdf: {  	v2 =	vand.u32 $0x1FFF, v39;
	v7 =	vand.u32 $0xFFFFE000, v53;
	v0 =	vor.u32 v0, v57;
	[tilespmem:$0x10] =	vst v4  }
0xe0: {  	v3 =	vand.u32 $0xFFFFE000, v51;
	v1 =	vand.u32 $0x1FFF, v38;
	v2 =	vor.u32 v2, v7;
	[tilespmem:$0x50] =	vst v0  }
0xe1: {  	v34 =	vshra.s32 v56, $0x1;
	v38 =	vshra.s32 v63, $0x1;
	v24 =	vor.u32 v1, v3;
	[tilespmem:$0x40] =	vst v2  }
0xe2: {  	v43 =	vld [tilespmem:$0x130];
	v42 =	vshra.s32 v21, $0x1;
	v6 =	vand.u32 $0xFFFFE000, v59;
	v9 =	vor.u32 v58, v40;
	[tilespmem:$0x0] =	vst v24  }
0xe3: {  	v33 =	vld [tilespmem:$0x120];
	v11 =	vand.u32 $0x1FFF, v52;
	v36 =	vand.u32 $0xFFFFE000, v34;
	v6 =	vor.u32 v19, v6;
	[tilespmem:$0xC0] =	vst v9  }
0xe4: {  	v45 =	vld [tilespmem:$0x160];
	v1 =	vand.u32 $0xFFFFE000, v25;
	v44 =	vand.u32 $0xFFFFE000, v41;
	v2 =	vor.u32 v27, v36;
	[tilespmem:$0xA0] =	vst v6  }
0xe5: {  	v3 =	vand.u32 $0x1FFF, v26;
	v47 =	vand.u32 $0xFFFFE000, v38;
	v0 =	vor.u32 v30, v1;
	[tilespmem:$0x100] =	vst v2  }
0xe6: {  	v39 =	vld [tilespmem:$0x150];
	v5 =	vand.u32 $0xFFFFE000, v61;
	v4 =	vand.u32 $0x1FFF, v21;
	v3 =	vor.u32 v3, v44;
	[tilespmem:$0xD0] =	vst v0  }
0xe7: {  	v28 =	vor.u32 v11, v5;
	v5 =	vor.u32 v31, v29;
	v6 =	vand.u32 $0xFFFFE000, v42;
	[tilespmem:$0xE0] =	vst v3  }
0xe8: {  	v48 =	vld [tilespmem:$0x1C0];
	v55 =	vshra.s32 v43, $0x1;
	v62 =	vand.u32 $0x1FFF, v43;
	[tilespmem:$0x90] =	vst v28;
	v4 =	vor.u32 v4, v6  }
0xe9: {  	[tilespmem:$0xF0] =	vst v5;
	v46 =	vand.u32 $0x1FFF, v33;
	v49 =	vshra.s32 v33, $0x1;
	v57 =	vshra.s32 v45, $0x1  }
0xea: {  	v58 =	vand.u32 $0x1FFF, v45;
	v1 =	vand.u32 $0xFFFFE000, v55;
	[tilespmem:$0x170] =	vst v4;
	v4 =	vor.u32 v32, v47  }
0xeb: {  	v50 =	vshra.s32 v39, $0x1;
	v53 =	vand.u32 $0xFFFFE000, v49;
	v1 =	vor.u32 v62, v1;
	[tilespmem:$0x180] =	vst v4  }
0xec: {  	v52 =	vand.u32 $0x1FFF, v39;
	v0 =	vand.u32 $0xFFFFE000, v57;
	v56 =	vor.u32 v46, v53;
	[tilespmem:$0x130] =	vst v1  }
0xed: {  	v51 =	vand.u32 $0xFFFFE000, v50;
	v59 =	vshra.s32 v48, $0x1;
	v0 =	vor.u32 v58, v0;
	[tilespmem:$0x120] =	vst v56  }
0xee: {  	v61 =	vand.u32 $0x1FFF, v48;
	v54 =	vor.u32 v52, v51;
	v60 =	vand.u32 $0xFFFFE000, v59;
	[tilespmem:$0x160] =	vst v0  }
0xef: {  	[tilespmem:$0x150] =	vst v54;
	v63 =	vor.u32 v61, v60  }
0xf0: {  	[tilespmem:$0x1C0] =	vst v63  }
0xf1: {  	[tilespmem:s5], [sflag:$0x1] =	stream.indirect.gather [hbm4b:s6+s8], $0x80, s2, s8, $0xb8;
	[tilespmem:$0x10200] =	vst v63  }
0xf2: {  	_ = 	snop  }
0xf3: {  	[tilespmem:s9], [sflag:$0x1] =	stream.indirect.gather [hbm4b:s6+s8], $0x80, s8, s8, $0xb8;
	[tilespmem:$0x10200] =	vst v63  }
0xf4: {  	_ = 	snop  }
0xf5: {  	[tilespmem:s11], [sflag:$0x1] =	stream.indirect.gather [hbm4b:s6+s8], $0x80, s10, s8, $0xb8;
	[tilespmem:$0x10200] =	vst v63  }
0xf6: {  	_ = 	snop  }
0xf7: {  	[tilespmem:s13], [sflag:$0x1] =	stream.indirect.gather [hbm4b:s6+s8], $0x80, s12, s8, $0xb8;
	[tilespmem:$0x10200] =	vst v63  }
0xf8: {  	_ =	swait.ge [sflag:s7], $0x4000  }
0xf9: {  	[sflag:s7] =	ssyncset.done $0x0  }
0xfa: {  	[sflag:s7] =	ssyncadd.s32 $0xFFFFC000  }
0xfb: {  	_ =	swait.ge [sflag:s7], $0x4000  }
0xfc: {  	[sflag:s7] =	ssyncset.done $0x0  }
0xfd: {  	[sflag:s7] =	ssyncadd.s32 $0xFFFFC000  }
0xfe: {  	_ =	swait.ge [sflag:s7], $0x4000  }
0xff: {  	[sflag:s7] =	ssyncset.done $0x0  }
0x100: {  	[sflag:s7] =	ssyncadd.s32 $0xFFFFC000  }
0x101: {  	_ =	swait.ge [sflag:s7], $0x4000  }
0x102: {  	[sflag:s7] =	ssyncset.done $0x0  }
0x103: {  	[sflag:s7] =	ssyncadd.s32 $0xFFFFC000  }
0x104: {  	[hbm4b:s4+s2] =	stream.linear.scatter [tilespmem:s5], [sflag:$0x2], $0x10000, $0x38;
	[tilespmem:$0x10200] =	vst v63  }
0x105: {  	_ =	swait.ge [sflag:s3], $0x10000  }
0x106: {  	[sflag:s3] =	ssyncset.done $0x0  }
0x107: {  	[sflag:s3] =	ssyncadd.s32 $0xFFFF0000  }
0x108: {  	_ =	sfence.sel $0x180000  }
0x109: {  	[bflag:$0x0] =	sbarrier.arrive $0xFFFF  }
0x10a: {  	p0 =	sne.s32 s1, $0x0;
	_ =	strace $0x90000047  }
0x10b: {  	s0 =	sadd.s32 @!p0 $0x100000, s0;
	[bflag:$0x2] =	sbarrier.arrive $0xFFFF  }
0x10c: {  	[sflag:s0] =	ssyncadd.tile.s32 @!p0 $0x1;
	_ =	shalt  }
.Lfunc_end2:
_tile_overlayer_lowered:
.L_overlay_start_2:
0x10d: {  	(tag) =	ssettag $0x2  }
0x10e: {  	s0 =	rddreg [dreg:$0x0];
	s2 =	stileid.u32  }
0x10f: {  	s1 =	rddreg [dreg:$0x1];
	p0 =	sne.s32 s2, $0x0  }
0x110: {  	s3 =	rddreg [dreg:$0x2];
	[bflag:$0x3] =	sbarrier.arrive $0xFFFF;
	s2 =	simm.s32 @!p0 $0x1C02  }
0x111: {  	[timem:s3], [sflag:s2] =	dma.local @!p0 [hbm:s0], s1  }
0x112: {  	s0 =	simm.s32 @!p0 $0x2  }
0x113: {  	_ =	swait.ge @!p0 [sflag:s0], s1  }
0x114: {  	s1 =	ssub.s32 @!p0 $0x0, s1;
	[sflag:s0] =	ssyncset.done @!p0 $0x0  }
0x115: {  	[sflag:s0] =	ssyncadd.s32 @!p0 s1  }
0x116: {  	[bflag:$0x3] =	sbarrier.arrive $0xFFFF  }
0x117: {  	_ =	shalt  }

</sc_bundles>
